<compile_context>
chip_gen: v7x
topology: tpu7x:2x2x1
jax: 0.10.2.dev20260603
libtpu: 0.0.44.dev20260713+nightly
codegen_flags: <defaults>
</compile_context>

<pallas_src>
import functools

import jax
import jax.numpy as jnp
from jax import lax
from jax.experimental import pallas as pl
from jax.experimental.pallas import tpu as pltpu
from jax.experimental.pallas import tpu_sc as plsc

_VOCAB = 1_000_000
_DIM = 32
_BATCH = 16384 * 26

_info = plsc.get_sparse_core_info()
_NC = _info.num_cores
_NS = _info.num_subcores
_NW = _NC * _NS
_B_PER_W = _BATCH // _NW
_NCHUNK = 8
_CHUNK = _B_PER_W // _NCHUNK
_NBUF = 2

_mesh = plsc.VectorSubcoreMesh(core_axis_name="c", subcore_axis_name="s")


@functools.partial(
    pl.kernel,
    mesh=_mesh,
    out_type=jax.ShapeDtypeStruct((_BATCH, _DIM), jnp.float32),
    scratch_types=[
        pltpu.VMEM((_NCHUNK, _CHUNK), jnp.int32),
        pltpu.VMEM((_NBUF, _CHUNK, _DIM), jnp.float32),
        pltpu.SemaphoreType.DMA((_NBUF,)),
        pltpu.SemaphoreType.DMA((_NBUF,)),
    ],
    compiler_params=pltpu.CompilerParams(use_tc_tiling_on_sc=False),
)
def _gather_kernel(weight_hbm, idx_hbm, out_hbm, idx_v, rows_v, gsem, ssem):
    wid = lax.axis_index("s") * _NC + lax.axis_index("c")
    base = wid * _B_PER_W

    pltpu.sync_copy(idx_hbm.at[wid], idx_v)

    def gather(c, b):
        return pltpu.async_copy(
            weight_hbm.at[idx_v.at[c]], rows_v.at[b], gsem.at[b])

    def store(c, b):
        return pltpu.async_copy(
            rows_v.at[b], out_hbm.at[pl.ds(base + c * _CHUNK, _CHUNK)],
            ssem.at[b])

    gathers = [gather(b, b) for b in range(_NBUF)]

    stores = [None] * _NBUF
    for c in range(_NCHUNK):
        b = c % _NBUF
        gathers[b].wait()
        stores[b] = store(c, b)
        if c + _NBUF < _NCHUNK:
            stores[b].wait()
            gathers[b] = gather(c + _NBUF, b)
    for b in range(_NBUF):
        if stores[b] is not None:
            stores[b].wait()


def kernel(x, weight):
    flat_idx = x.reshape(_NW, _NCHUNK, _CHUNK).astype(jnp.int32)
    out = _gather_kernel(weight, flat_idx)
    return out.reshape(x.shape[0], x.shape[1], _DIM)

# --- scband reference (transcript-rebuilt; emitter-appended) ---
"""Pipeline reference for scband-parallel-embedding-57578331570957 (READ-ONLY COPY).

The authoritative reference and input builder live on the scoring server;
editing this copy changes nothing except your own understanding.
"""

import jax, jax.numpy as jnp
import numpy as np

IN_FEATURES = 1000000
OUT_FEATURES = 32
WORLD_SIZE = 1
RANK = 0
EMBD_PER_RANK = IN_FEATURES // WORLD_SIZE
START = RANK * EMBD_PER_RANK
END = (RANK + 1) * EMBD_PER_RANK


def setup_inputs(seed: int = 0) -> dict:
    key = jax.random.key(seed)
    k1, k2 = jax.random.split(key)
    x = jax.random.randint(k1, (16384, 26), 0, IN_FEATURES, dtype=jnp.int64 if jax.config.jax_enable_x64 else jnp.int32)
    weight = jax.random.normal(k2, (EMBD_PER_RANK, OUT_FEATURES), dtype=jnp.float32) * 0.02
    return {"x": x, "weight": weight}


def reference(x, weight):
    # mask of ids owned by this rank's vocab shard
    mask = (x >= START) & (x < END)
    # shift to local ids and clamp into the local table range
    local_ids = jnp.clip(x - START, 0, EMBD_PER_RANK - 1)
    # embedding gather
    output = jnp.take(weight, local_ids, axis=0)
    # zero out ids not owned by this rank
    output = output * mask[..., None].astype(output.dtype)
    # all_reduce across ranks: identity for world_size == 1 simulation
    return output

if __name__ == "__main__":
    import jax
    _d = setup_inputs()
    print(jax.jit(kernel)(*tuple(_d.values())))

</pallas_src>

<mosaic_0001>
#map = affine_map<(d0, d1) -> (0, 0)>
#map1 = affine_map<(d0, d1) -> (0, 0, 0)>
module attributes {stable_mosaic.version = 14 : i64} {
  func.func @_gather_kernel(%arg0: i32, %arg1: i32, %arg2: memref<1000000x32xf32, #tpu.memory_space<hbm>>, %arg3: memref<32x8x1664xi32, #tpu.memory_space<hbm>>, %arg4: memref<425984x32xf32, #tpu.memory_space<hbm>>, %arg5: memref<8x1664xi32, #tpu.memory_space<vmem>>, %arg6: memref<2x1664x32xf32, #tpu.memory_space<vmem>>, %arg7: memref<2x!tpu.dma_semaphore, #tpu.memory_space<semaphore_mem>>, %arg8: memref<2x!tpu.dma_semaphore, #tpu.memory_space<semaphore_mem>>) attributes {dimension_semantics = [#tpu.dimension_semantics<core_parallel>, #tpu.dimension_semantics<subcore_parallel>], iteration_bounds = array<i64: 2, 16>, scalar_prefetch = 0 : i64, scratch_operands = 4 : i64, tpu.core_type = #tpu.core_type<sc_vector_subcore>, window_params = [{transform_indices = #map}, {transform_indices = #map1}, {transform_indices = #map}]} {
    %mul3A = arith.constant 2 : i32
    %mul3A_0 = arith.muli %arg1, %mul3A : i32
    %add3A = arith.addi %mul3A_0, %arg0 : i32
    %mul3A_1 = arith.constant 13312 : i32
    %mul3A_2 = arith.muli %add3A, %mul3A_1 : i32
    "tpu.region"() ({
      %run_scoped3A = tpu.sem_alloc : memref<!tpu.dma_semaphore, #tpu.memory_space<semaphore_mem>>
      %dma_start3A_513 = arith.constant 0 : i32
      %dma_start3A_514 = arith.constant 0 : i32
      %dma_start3A_515 = tpu.memref_slice %arg3[%add3A, %dma_start3A_513, %dma_start3A_514] : memref<32x8x1664xi32, #tpu.memory_space<hbm>> -> memref<1x8x1664xi32, #tpu.memory_space<hbm>>
      %dma_start3A_516 = tpu.memref_squeeze %dma_start3A_515 : memref<1x8x1664xi32, #tpu.memory_space<hbm>> -> memref<8x1664xi32, #tpu.memory_space<hbm>>
      %dma_start3A_517 = arith.constant 0 : i32
      %dma_start3A_518 = arith.constant 0 : i32
      %dma_start3A_519 = tpu.memref_slice %arg3[%add3A, %dma_start3A_517, %dma_start3A_518] : memref<32x8x1664xi32, #tpu.memory_space<hbm>> -> memref<1x8x1664xi32, #tpu.memory_space<hbm>>
      %dma_start3A_520 = tpu.memref_squeeze %dma_start3A_519 : memref<1x8x1664xi32, #tpu.memory_space<hbm>> -> memref<8x1664xi32, #tpu.memory_space<hbm>>
      tpu.enqueue_dma source(%dma_start3A_520 : memref<8x1664xi32, #tpu.memory_space<hbm>>) target(%arg5 : memref<8x1664xi32, #tpu.memory_space<vmem>>) target_semaphore(%run_scoped3A : memref<!tpu.dma_semaphore, #tpu.memory_space<semaphore_mem>>)
      %dma_wait3A_521 = arith.constant 0 : i32
      %dma_wait3A_522 = arith.constant 0 : i32
      %dma_wait3A_523 = tpu.memref_slice %arg3[%add3A, %dma_wait3A_521, %dma_wait3A_522] : memref<32x8x1664xi32, #tpu.memory_space<hbm>> -> memref<1x8x1664xi32, #tpu.memory_space<hbm>>
      %dma_wait3A_524 = tpu.memref_squeeze %dma_wait3A_523 : memref<1x8x1664xi32, #tpu.memory_space<hbm>> -> memref<8x1664xi32, #tpu.memory_space<hbm>>
      %dma_wait3A_525 = arith.constant 0 : i32
      %dma_wait3A_526 = arith.constant 0 : i32
      %dma_wait3A_527 = tpu.memref_slice %arg3[%add3A, %dma_wait3A_525, %dma_wait3A_526] : memref<32x8x1664xi32, #tpu.memory_space<hbm>> -> memref<1x8x1664xi32, #tpu.memory_space<hbm>>
      %dma_wait3A_528 = tpu.memref_squeeze %dma_wait3A_527 : memref<1x8x1664xi32, #tpu.memory_space<hbm>> -> memref<8x1664xi32, #tpu.memory_space<hbm>>
      tpu.wait_dma2 semaphore(%run_scoped3A : memref<!tpu.dma_semaphore, #tpu.memory_space<semaphore_mem>>) src(%dma_wait3A_528 : memref<8x1664xi32, #tpu.memory_space<hbm>>) dst(%arg5 : memref<8x1664xi32, #tpu.memory_space<vmem>>)
      tpu.yield
    }) : () -> ()
    %dma_start3A = arith.constant 0 : i32
    %dma_start3A_3 = arith.constant 0 : i32
    %dma_start3A_4 = arith.constant 0 : i32
    %dma_start3A_5 = arith.constant 0 : i32
    %dma_start3A_6 = arith.constant 0 : i32
    %dma_start3A_7 = tpu.memref_slice %arg6[%dma_start3A_3, %dma_start3A_5, %dma_start3A_6] : memref<2x1664x32xf32, #tpu.memory_space<vmem>> -> memref<1x1664x32xf32, #tpu.memory_space<vmem>>
    %dma_start3A_8 = tpu.memref_squeeze %dma_start3A_7 : memref<1x1664x32xf32, #tpu.memory_space<vmem>> -> memref<1664x32xf32, #tpu.memory_space<vmem>>
    %dma_start3A_9 = arith.constant 0 : i32
    %dma_start3A_10 = tpu.memref_slice %arg5[%dma_start3A, %dma_start3A_9] : memref<8x1664xi32, #tpu.memory_space<vmem>> -> memref<1x1664xi32, #tpu.memory_space<vmem>>
    %dma_start3A_11 = tpu.memref_squeeze %dma_start3A_10 : memref<1x1664xi32, #tpu.memory_space<vmem>> -> memref<1664xi32, #tpu.memory_space<vmem>>
    %dma_start3A_12 = arith.constant 0 : i32
    %dma_start3A_13 = arith.constant 0 : i32
    %dma_start3A_14 = tpu.memref_slice %arg2[%dma_start3A_12, %dma_start3A_13] : memref<1000000x32xf32, #tpu.memory_space<hbm>> -> memref<1000000x32xf32, #tpu.memory_space<hbm>>
    %dma_start3A_15 = tpu.memref_slice %arg7[%dma_start3A_4] : memref<2x!tpu.dma_semaphore, #tpu.memory_space<semaphore_mem>> -> memref<1x!tpu.dma_semaphore, #tpu.memory_space<semaphore_mem>>
    %dma_start3A_16 = tpu.memref_squeeze %dma_start3A_15 : memref<1x!tpu.dma_semaphore, #tpu.memory_space<semaphore_mem>> -> memref<!tpu.dma_semaphore, #tpu.memory_space<semaphore_mem>>
    tpu.enqueue_indirect_dma source(%dma_start3A_14 : memref<1000000x32xf32, #tpu.memory_space<hbm>>) target(%dma_start3A_8 : memref<1664x32xf32, #tpu.memory_space<vmem>>) offsets(%dma_start3A_11 : memref<1664xi32, #tpu.memory_space<vmem>>) semaphore(%dma_start3A_16 : memref<!tpu.dma_semaphore, #tpu.memory_space<semaphore_mem>>)
    %dma_start3A_17 = arith.constant 1 : i32
    %dma_start3A_18 = arith.constant 1 : i32
    %dma_start3A_19 = arith.constant 1 : i32
    %dma_start3A_20 = arith.constant 0 : i32
    %dma_start3A_21 = arith.constant 0 : i32
    %dma_start3A_22 = tpu.memref_slice %arg6[%dma_start3A_18, %dma_start3A_20, %dma_start3A_21] : memref<2x1664x32xf32, #tpu.memory_space<vmem>> -> memref<1x1664x32xf32, #tpu.memory_space<vmem>>
    %dma_start3A_23 = tpu.memref_squeeze %dma_start3A_22 : memref<1x1664x32xf32, #tpu.memory_space<vmem>> -> memref<1664x32xf32, #tpu.memory_space<vmem>>
    %dma_start3A_24 = arith.constant 0 : i32
    %dma_start3A_25 = tpu.memref_slice %arg5[%dma_start3A_17, %dma_start3A_24] : memref<8x1664xi32, #tpu.memory_space<vmem>> -> memref<1x1664xi32, #tpu.memory_space<vmem>>
    %dma_start3A_26 = tpu.memref_squeeze %dma_start3A_25 : memref<1x1664xi32, #tpu.memory_space<vmem>> -> memref<1664xi32, #tpu.memory_space<vmem>>
    %dma_start3A_27 = arith.constant 0 : i32
    %dma_start3A_28 = arith.constant 0 : i32
    %dma_start3A_29 = tpu.memref_slice %arg2[%dma_start3A_27, %dma_start3A_28] : memref<1000000x32xf32, #tpu.memory_space<hbm>> -> memref<1000000x32xf32, #tpu.memory_space<hbm>>
    %dma_start3A_30 = tpu.memref_slice %arg7[%dma_start3A_19] : memref<2x!tpu.dma_semaphore, #tpu.memory_space<semaphore_mem>> -> memref<1x!tpu.dma_semaphore, #tpu.memory_space<semaphore_mem>>
    %dma_start3A_31 = tpu.memref_squeeze %dma_start3A_30 : memref<1x!tpu.dma_semaphore, #tpu.memory_space<semaphore_mem>> -> memref<!tpu.dma_semaphore, #tpu.memory_space<semaphore_mem>>
    tpu.enqueue_indirect_dma source(%dma_start3A_29 : memref<1000000x32xf32, #tpu.memory_space<hbm>>) target(%dma_start3A_23 : memref<1664x32xf32, #tpu.memory_space<vmem>>) offsets(%dma_start3A_26 : memref<1664xi32, #tpu.memory_space<vmem>>) semaphore(%dma_start3A_31 : memref<!tpu.dma_semaphore, #tpu.memory_space<semaphore_mem>>)
    %dma_wait3A = arith.constant 0 : i32
    %dma_wait3A_32 = arith.constant 0 : i32
    %dma_wait3A_33 = arith.constant 0 : i32
    %dma_wait3A_34 = arith.constant 0 : i32
    %dma_wait3A_35 = arith.constant 0 : i32
    %dma_wait3A_36 = tpu.memref_slice %arg6[%dma_wait3A_32, %dma_wait3A_34, %dma_wait3A_35] : memref<2x1664x32xf32, #tpu.memory_space<vmem>> -> memref<1x1664x32xf32, #tpu.memory_space<vmem>>
    %dma_wait3A_37 = tpu.memref_squeeze %dma_wait3A_36 : memref<1x1664x32xf32, #tpu.memory_space<vmem>> -> memref<1664x32xf32, #tpu.memory_space<vmem>>
    %dma_wait3A_38 = arith.constant 0 : i32
    %dma_wait3A_39 = tpu.memref_slice %arg5[%dma_wait3A, %dma_wait3A_38] : memref<8x1664xi32, #tpu.memory_space<vmem>> -> memref<1x1664xi32, #tpu.memory_space<vmem>>
    %dma_wait3A_40 = tpu.memref_squeeze %dma_wait3A_39 : memref<1x1664xi32, #tpu.memory_space<vmem>> -> memref<1664xi32, #tpu.memory_space<vmem>>
    %dma_wait3A_41 = arith.constant 0 : i32
    %dma_wait3A_42 = arith.constant 0 : i32
    %dma_wait3A_43 = tpu.memref_slice %arg2[%dma_wait3A_41, %dma_wait3A_42] : memref<1000000x32xf32, #tpu.memory_space<hbm>> -> memref<1000000x32xf32, #tpu.memory_space<hbm>>
    %dma_wait3A_44 = tpu.memref_slice %arg7[%dma_wait3A_33] : memref<2x!tpu.dma_semaphore, #tpu.memory_space<semaphore_mem>> -> memref<1x!tpu.dma_semaphore, #tpu.memory_space<semaphore_mem>>
    %dma_wait3A_45 = tpu.memref_squeeze %dma_wait3A_44 : memref<1x!tpu.dma_semaphore, #tpu.memory_space<semaphore_mem>> -> memref<!tpu.dma_semaphore, #tpu.memory_space<semaphore_mem>>
    tpu.wait_indirect_dma semaphore(%dma_wait3A_45 : memref<!tpu.dma_semaphore, #tpu.memory_space<semaphore_mem>>) src(%dma_wait3A_43 : memref<1000000x32xf32, #tpu.memory_space<hbm>>) dst(%dma_wait3A_37 : memref<1664x32xf32, #tpu.memory_space<vmem>>)
    %add3A_46 = arith.constant 0 : i32
    %add3A_47 = arith.addi %mul3A_2, %add3A_46 : i32
    %dma_start3A_48 = arith.constant 0 : i32
    %dma_start3A_49 = arith.constant 0 : i32
    %dma_start3A_50 = arith.constant 0 : i32
    %dma_start3A_51 = arith.constant 0 : i32
    %dma_start3A_52 = tpu.memref_slice %arg6[%dma_start3A_48, %dma_start3A_50, %dma_start3A_51] : memref<2x1664x32xf32, #tpu.memory_space<vmem>> -> memref<1x1664x32xf32, #tpu.memory_space<vmem>>
    %dma_start3A_53 = tpu.memref_squeeze %dma_start3A_52 : memref<1x1664x32xf32, #tpu.memory_space<vmem>> -> memref<1664x32xf32, #tpu.memory_space<vmem>>
    %dma_start3A_54 = arith.constant 0 : i32
    %dma_start3A_55 = tpu.memref_slice %arg4[%add3A_47, %dma_start3A_54] : memref<425984x32xf32, #tpu.memory_space<hbm>> -> memref<1664x32xf32, #tpu.memory_space<hbm>>
    %dma_start3A_56 = tpu.memref_slice %arg8[%dma_start3A_49] : memref<2x!tpu.dma_semaphore, #tpu.memory_space<semaphore_mem>> -> memref<1x!tpu.dma_semaphore, #tpu.memory_space<semaphore_mem>>
    %dma_start3A_57 = tpu.memref_squeeze %dma_start3A_56 : memref<1x!tpu.dma_semaphore, #tpu.memory_space<semaphore_mem>> -> memref<!tpu.dma_semaphore, #tpu.memory_space<semaphore_mem>>
    %dma_start3A_58 = arith.constant 0 : i32
    %dma_start3A_59 = tpu.memref_slice %arg4[%add3A_47, %dma_start3A_58] : memref<425984x32xf32, #tpu.memory_space<hbm>> -> memref<1664x32xf32, #tpu.memory_space<hbm>>
    %dma_start3A_60 = arith.constant 0 : i32
    %dma_start3A_61 = arith.constant 0 : i32
    %dma_start3A_62 = tpu.memref_slice %arg6[%dma_start3A_48, %dma_start3A_60, %dma_start3A_61] : memref<2x1664x32xf32, #tpu.memory_space<vmem>> -> memref<1x1664x32xf32, #tpu.memory_space<vmem>>
    %dma_start3A_63 = tpu.memref_squeeze %dma_start3A_62 : memref<1x1664x32xf32, #tpu.memory_space<vmem>> -> memref<1664x32xf32, #tpu.memory_space<vmem>>
    tpu.enqueue_dma source(%dma_start3A_63 : memref<1664x32xf32, #tpu.memory_space<vmem>>) target(%dma_start3A_59 : memref<1664x32xf32, #tpu.memory_space<hbm>>) target_semaphore(%dma_start3A_57 : memref<!tpu.dma_semaphore, #tpu.memory_space<semaphore_mem>>)
    %dma_wait3A_64 = arith.constant 0 : i32
    %dma_wait3A_65 = arith.constant 0 : i32
    %dma_wait3A_66 = arith.constant 0 : i32
    %dma_wait3A_67 = arith.constant 0 : i32
    %dma_wait3A_68 = tpu.memref_slice %arg6[%dma_wait3A_64, %dma_wait3A_66, %dma_wait3A_67] : memref<2x1664x32xf32, #tpu.memory_space<vmem>> -> memref<1x1664x32xf32, #tpu.memory_space<vmem>>
    %dma_wait3A_69 = tpu.memref_squeeze %dma_wait3A_68 : memref<1x1664x32xf32, #tpu.memory_space<vmem>> -> memref<1664x32xf32, #tpu.memory_space<vmem>>
    %dma_wait3A_70 = arith.constant 0 : i32
    %dma_wait3A_71 = tpu.memref_slice %arg4[%add3A_47, %dma_wait3A_70] : memref<425984x32xf32, #tpu.memory_space<hbm>> -> memref<1664x32xf32, #tpu.memory_space<hbm>>
    %dma_wait3A_72 = tpu.memref_slice %arg8[%dma_wait3A_65] : memref<2x!tpu.dma_semaphore, #tpu.memory_space<semaphore_mem>> -> memref<1x!tpu.dma_semaphore, #tpu.memory_space<semaphore_mem>>
    %dma_wait3A_73 = tpu.memref_squeeze %dma_wait3A_72 : memref<1x!tpu.dma_semaphore, #tpu.memory_space<semaphore_mem>> -> memref<!tpu.dma_semaphore, #tpu.memory_space<semaphore_mem>>
    %dma_wait3A_74 = arith.constant 0 : i32
    %dma_wait3A_75 = tpu.memref_slice %arg4[%add3A_47, %dma_wait3A_74] : memref<425984x32xf32, #tpu.memory_space<hbm>> -> memref<1664x32xf32, #tpu.memory_space<hbm>>
    %dma_wait3A_76 = arith.constant 0 : i32
    %dma_wait3A_77 = arith.constant 0 : i32
    %dma_wait3A_78 = tpu.memref_slice %arg6[%dma_wait3A_64, %dma_wait3A_76, %dma_wait3A_77] : memref<2x1664x32xf32, #tpu.memory_space<vmem>> -> memref<1x1664x32xf32, #tpu.memory_space<vmem>>
    %dma_wait3A_79 = tpu.memref_squeeze %dma_wait3A_78 : memref<1x1664x32xf32, #tpu.memory_space<vmem>> -> memref<1664x32xf32, #tpu.memory_space<vmem>>
    tpu.wait_dma2 semaphore(%dma_wait3A_73 : memref<!tpu.dma_semaphore, #tpu.memory_space<semaphore_mem>>) src(%dma_wait3A_79 : memref<1664x32xf32, #tpu.memory_space<vmem>>) dst(%dma_wait3A_75 : memref<1664x32xf32, #tpu.memory_space<hbm>>)
    %dma_start3A_80 = arith.constant 2 : i32
    %dma_start3A_81 = arith.constant 0 : i32
    %dma_start3A_82 = arith.constant 0 : i32
    %dma_start3A_83 = arith.constant 0 : i32
    %dma_start3A_84 = arith.constant 0 : i32
    %dma_start3A_85 = tpu.memref_slice %arg6[%dma_start3A_81, %dma_start3A_83, %dma_start3A_84] : memref<2x1664x32xf32, #tpu.memory_space<vmem>> -> memref<1x1664x32xf32, #tpu.memory_space<vmem>>
    %dma_start3A_86 = tpu.memref_squeeze %dma_start3A_85 : memref<1x1664x32xf32, #tpu.memory_space<vmem>> -> memref<1664x32xf32, #tpu.memory_space<vmem>>
    %dma_start3A_87 = arith.constant 0 : i32
    %dma_start3A_88 = tpu.memref_slice %arg5[%dma_start3A_80, %dma_start3A_87] : memref<8x1664xi32, #tpu.memory_space<vmem>> -> memref<1x1664xi32, #tpu.memory_space<vmem>>
    %dma_start3A_89 = tpu.memref_squeeze %dma_start3A_88 : memref<1x1664xi32, #tpu.memory_space<vmem>> -> memref<1664xi32, #tpu.memory_space<vmem>>
    %dma_start3A_90 = arith.constant 0 : i32
    %dma_start3A_91 = arith.constant 0 : i32
    %dma_start3A_92 = tpu.memref_slice %arg2[%dma_start3A_90, %dma_start3A_91] : memref<1000000x32xf32, #tpu.memory_space<hbm>> -> memref<1000000x32xf32, #tpu.memory_space<hbm>>
    %dma_start3A_93 = tpu.memref_slice %arg7[%dma_start3A_82] : memref<2x!tpu.dma_semaphore, #tpu.memory_space<semaphore_mem>> -> memref<1x!tpu.dma_semaphore, #tpu.memory_space<semaphore_mem>>
    %dma_start3A_94 = tpu.memref_squeeze %dma_start3A_93 : memref<1x!tpu.dma_semaphore, #tpu.memory_space<semaphore_mem>> -> memref<!tpu.dma_semaphore, #tpu.memory_space<semaphore_mem>>
    tpu.enqueue_indirect_dma source(%dma_start3A_92 : memref<1000000x32xf32, #tpu.memory_space<hbm>>) target(%dma_start3A_86 : memref<1664x32xf32, #tpu.memory_space<vmem>>) offsets(%dma_start3A_89 : memref<1664xi32, #tpu.memory_space<vmem>>) semaphore(%dma_start3A_94 : memref<!tpu.dma_semaphore, #tpu.memory_space<semaphore_mem>>)
    %dma_wait3A_95 = arith.constant 1 : i32
    %dma_wait3A_96 = arith.constant 1 : i32
    %dma_wait3A_97 = arith.constant 1 : i32
    %dma_wait3A_98 = arith.constant 0 : i32
    %dma_wait3A_99 = arith.constant 0 : i32
    %dma_wait3A_100 = tpu.memref_slice %arg6[%dma_wait3A_96, %dma_wait3A_98, %dma_wait3A_99] : memref<2x1664x32xf32, #tpu.memory_space<vmem>> -> memref<1x1664x32xf32, #tpu.memory_space<vmem>>
    %dma_wait3A_101 = tpu.memref_squeeze %dma_wait3A_100 : memref<1x1664x32xf32, #tpu.memory_space<vmem>> -> memref<1664x32xf32, #tpu.memory_space<vmem>>
    %dma_wait3A_102 = arith.constant 0 : i32
    %dma_wait3A_103 = tpu.memref_slice %arg5[%dma_wait3A_95, %dma_wait3A_102] : memref<8x1664xi32, #tpu.memory_space<vmem>> -> memref<1x1664xi32, #tpu.memory_space<vmem>>
    %dma_wait3A_104 = tpu.memref_squeeze %dma_wait3A_103 : memref<1x1664xi32, #tpu.memory_space<vmem>> -> memref<1664xi32, #tpu.memory_space<vmem>>
    %dma_wait3A_105 = arith.constant 0 : i32
    %dma_wait3A_106 = arith.constant 0 : i32
    %dma_wait3A_107 = tpu.memref_slice %arg2[%dma_wait3A_105, %dma_wait3A_106] : memref<1000000x32xf32, #tpu.memory_space<hbm>> -> memref<1000000x32xf32, #tpu.memory_space<hbm>>
    %dma_wait3A_108 = tpu.memref_slice %arg7[%dma_wait3A_97] : memref<2x!tpu.dma_semaphore, #tpu.memory_space<semaphore_mem>> -> memref<1x!tpu.dma_semaphore, #tpu.memory_space<semaphore_mem>>
    %dma_wait3A_109 = tpu.memref_squeeze %dma_wait3A_108 : memref<1x!tpu.dma_semaphore, #tpu.memory_space<semaphore_mem>> -> memref<!tpu.dma_semaphore, #tpu.memory_space<semaphore_mem>>
    tpu.wait_indirect_dma semaphore(%dma_wait3A_109 : memref<!tpu.dma_semaphore, #tpu.memory_space<semaphore_mem>>) src(%dma_wait3A_107 : memref<1000000x32xf32, #tpu.memory_space<hbm>>) dst(%dma_wait3A_101 : memref<1664x32xf32, #tpu.memory_space<vmem>>)
    %add3A_110 = arith.constant 1664 : i32
    %add3A_111 = arith.addi %mul3A_2, %add3A_110 : i32
    %dma_start3A_112 = arith.constant 1 : i32
    %dma_start3A_113 = arith.constant 1 : i32
    %dma_start3A_114 = arith.constant 0 : i32
    %dma_start3A_115 = arith.constant 0 : i32
    %dma_start3A_116 = tpu.memref_slice %arg6[%dma_start3A_112, %dma_start3A_114, %dma_start3A_115] : memref<2x1664x32xf32, #tpu.memory_space<vmem>> -> memref<1x1664x32xf32, #tpu.memory_space<vmem>>
    %dma_start3A_117 = tpu.memref_squeeze %dma_start3A_116 : memref<1x1664x32xf32, #tpu.memory_space<vmem>> -> memref<1664x32xf32, #tpu.memory_space<vmem>>
    %dma_start3A_118 = arith.constant 0 : i32
    %dma_start3A_119 = tpu.memref_slice %arg4[%add3A_111, %dma_start3A_118] : memref<425984x32xf32, #tpu.memory_space<hbm>> -> memref<1664x32xf32, #tpu.memory_space<hbm>>
    %dma_start3A_120 = tpu.memref_slice %arg8[%dma_start3A_113] : memref<2x!tpu.dma_semaphore, #tpu.memory_space<semaphore_mem>> -> memref<1x!tpu.dma_semaphore, #tpu.memory_space<semaphore_mem>>
    %dma_start3A_121 = tpu.memref_squeeze %dma_start3A_120 : memref<1x!tpu.dma_semaphore, #tpu.memory_space<semaphore_mem>> -> memref<!tpu.dma_semaphore, #tpu.memory_space<semaphore_mem>>
    %dma_start3A_122 = arith.constant 0 : i32
    %dma_start3A_123 = tpu.memref_slice %arg4[%add3A_111, %dma_start3A_122] : memref<425984x32xf32, #tpu.memory_space<hbm>> -> memref<1664x32xf32, #tpu.memory_space<hbm>>
    %dma_start3A_124 = arith.constant 0 : i32
    %dma_start3A_125 = arith.constant 0 : i32
    %dma_start3A_126 = tpu.memref_slice %arg6[%dma_start3A_112, %dma_start3A_124, %dma_start3A_125] : memref<2x1664x32xf32, #tpu.memory_space<vmem>> -> memref<1x1664x32xf32, #tpu.memory_space<vmem>>
    %dma_start3A_127 = tpu.memref_squeeze %dma_start3A_126 : memref<1x1664x32xf32, #tpu.memory_space<vmem>> -> memref<1664x32xf32, #tpu.memory_space<vmem>>
    tpu.enqueue_dma source(%dma_start3A_127 : memref<1664x32xf32, #tpu.memory_space<vmem>>) target(%dma_start3A_123 : memref<1664x32xf32, #tpu.memory_space<hbm>>) target_semaphore(%dma_start3A_121 : memref<!tpu.dma_semaphore, #tpu.memory_space<semaphore_mem>>)
    %dma_wait3A_128 = arith.constant 1 : i32
    %dma_wait3A_129 = arith.constant 1 : i32
    %dma_wait3A_130 = arith.constant 0 : i32
    %dma_wait3A_131 = arith.constant 0 : i32
    %dma_wait3A_132 = tpu.memref_slice %arg6[%dma_wait3A_128, %dma_wait3A_130, %dma_wait3A_131] : memref<2x1664x32xf32, #tpu.memory_space<vmem>> -> memref<1x1664x32xf32, #tpu.memory_space<vmem>>
    %dma_wait3A_133 = tpu.memref_squeeze %dma_wait3A_132 : memref<1x1664x32xf32, #tpu.memory_space<vmem>> -> memref<1664x32xf32, #tpu.memory_space<vmem>>
    %dma_wait3A_134 = arith.constant 0 : i32
    %dma_wait3A_135 = tpu.memref_slice %arg4[%add3A_111, %dma_wait3A_134] : memref<425984x32xf32, #tpu.memory_space<hbm>> -> memref<1664x32xf32, #tpu.memory_space<hbm>>
    %dma_wait3A_136 = tpu.memref_slice %arg8[%dma_wait3A_129] : memref<2x!tpu.dma_semaphore, #tpu.memory_space<semaphore_mem>> -> memref<1x!tpu.dma_semaphore, #tpu.memory_space<semaphore_mem>>
    %dma_wait3A_137 = tpu.memref_squeeze %dma_wait3A_136 : memref<1x!tpu.dma_semaphore, #tpu.memory_space<semaphore_mem>> -> memref<!tpu.dma_semaphore, #tpu.memory_space<semaphore_mem>>
    %dma_wait3A_138 = arith.constant 0 : i32
    %dma_wait3A_139 = tpu.memref_slice %arg4[%add3A_111, %dma_wait3A_138] : memref<425984x32xf32, #tpu.memory_space<hbm>> -> memref<1664x32xf32, #tpu.memory_space<hbm>>
    %dma_wait3A_140 = arith.constant 0 : i32
    %dma_wait3A_141 = arith.constant 0 : i32
    %dma_wait3A_142 = tpu.memref_slice %arg6[%dma_wait3A_128, %dma_wait3A_140, %dma_wait3A_141] : memref<2x1664x32xf32, #tpu.memory_space<vmem>> -> memref<1x1664x32xf32, #tpu.memory_space<vmem>>
    %dma_wait3A_143 = tpu.memref_squeeze %dma_wait3A_142 : memref<1x1664x32xf32, #tpu.memory_space<vmem>> -> memref<1664x32xf32, #tpu.memory_space<vmem>>
    tpu.wait_dma2 semaphore(%dma_wait3A_137 : memref<!tpu.dma_semaphore, #tpu.memory_space<semaphore_mem>>) src(%dma_wait3A_143 : memref<1664x32xf32, #tpu.memory_space<vmem>>) dst(%dma_wait3A_139 : memref<1664x32xf32, #tpu.memory_space<hbm>>)
    %dma_start3A_144 = arith.constant 3 : i32
    %dma_start3A_145 = arith.constant 1 : i32
    %dma_start3A_146 = arith.constant 1 : i32
    %dma_start3A_147 = arith.constant 0 : i32
    %dma_start3A_148 = arith.constant 0 : i32
    %dma_start3A_149 = tpu.memref_slice %arg6[%dma_start3A_145, %dma_start3A_147, %dma_start3A_148] : memref<2x1664x32xf32, #tpu.memory_space<vmem>> -> memref<1x1664x32xf32, #tpu.memory_space<vmem>>
    %dma_start3A_150 = tpu.memref_squeeze %dma_start3A_149 : memref<1x1664x32xf32, #tpu.memory_space<vmem>> -> memref<1664x32xf32, #tpu.memory_space<vmem>>
    %dma_start3A_151 = arith.constant 0 : i32
    %dma_start3A_152 = tpu.memref_slice %arg5[%dma_start3A_144, %dma_start3A_151] : memref<8x1664xi32, #tpu.memory_space<vmem>> -> memref<1x1664xi32, #tpu.memory_space<vmem>>
    %dma_start3A_153 = tpu.memref_squeeze %dma_start3A_152 : memref<1x1664xi32, #tpu.memory_space<vmem>> -> memref<1664xi32, #tpu.memory_space<vmem>>
    %dma_start3A_154 = arith.constant 0 : i32
    %dma_start3A_155 = arith.constant 0 : i32
    %dma_start3A_156 = tpu.memref_slice %arg2[%dma_start3A_154, %dma_start3A_155] : memref<1000000x32xf32, #tpu.memory_space<hbm>> -> memref<1000000x32xf32, #tpu.memory_space<hbm>>
    %dma_start3A_157 = tpu.memref_slice %arg7[%dma_start3A_146] : memref<2x!tpu.dma_semaphore, #tpu.memory_space<semaphore_mem>> -> memref<1x!tpu.dma_semaphore, #tpu.memory_space<semaphore_mem>>
    %dma_start3A_158 = tpu.memref_squeeze %dma_start3A_157 : memref<1x!tpu.dma_semaphore, #tpu.memory_space<semaphore_mem>> -> memref<!tpu.dma_semaphore, #tpu.memory_space<semaphore_mem>>
    tpu.enqueue_indirect_dma source(%dma_start3A_156 : memref<1000000x32xf32, #tpu.memory_space<hbm>>) target(%dma_start3A_150 : memref<1664x32xf32, #tpu.memory_space<vmem>>) offsets(%dma_start3A_153 : memref<1664xi32, #tpu.memory_space<vmem>>) semaphore(%dma_start3A_158 : memref<!tpu.dma_semaphore, #tpu.memory_space<semaphore_mem>>)
    %dma_wait3A_159 = arith.constant 2 : i32
    %dma_wait3A_160 = arith.constant 0 : i32
    %dma_wait3A_161 = arith.constant 0 : i32
    %dma_wait3A_162 = arith.constant 0 : i32
    %dma_wait3A_163 = arith.constant 0 : i32
    %dma_wait3A_164 = tpu.memref_slice %arg6[%dma_wait3A_160, %dma_wait3A_162, %dma_wait3A_163] : memref<2x1664x32xf32, #tpu.memory_space<vmem>> -> memref<1x1664x32xf32, #tpu.memory_space<vmem>>
    %dma_wait3A_165 = tpu.memref_squeeze %dma_wait3A_164 : memref<1x1664x32xf32, #tpu.memory_space<vmem>> -> memref<1664x32xf32, #tpu.memory_space<vmem>>
    %dma_wait3A_166 = arith.constant 0 : i32
    %dma_wait3A_167 = tpu.memref_slice %arg5[%dma_wait3A_159, %dma_wait3A_166] : memref<8x1664xi32, #tpu.memory_space<vmem>> -> memref<1x1664xi32, #tpu.memory_space<vmem>>
    %dma_wait3A_168 = tpu.memref_squeeze %dma_wait3A_167 : memref<1x1664xi32, #tpu.memory_space<vmem>> -> memref<1664xi32, #tpu.memory_space<vmem>>
    %dma_wait3A_169 = arith.constant 0 : i32
    %dma_wait3A_170 = arith.constant 0 : i32
    %dma_wait3A_171 = tpu.memref_slice %arg2[%dma_wait3A_169, %dma_wait3A_170] : memref<1000000x32xf32, #tpu.memory_space<hbm>> -> memref<1000000x32xf32, #tpu.memory_space<hbm>>
    %dma_wait3A_172 = tpu.memref_slice %arg7[%dma_wait3A_161] : memref<2x!tpu.dma_semaphore, #tpu.memory_space<semaphore_mem>> -> memref<1x!tpu.dma_semaphore, #tpu.memory_space<semaphore_mem>>
    %dma_wait3A_173 = tpu.memref_squeeze %dma_wait3A_172 : memref<1x!tpu.dma_semaphore, #tpu.memory_space<semaphore_mem>> -> memref<!tpu.dma_semaphore, #tpu.memory_space<semaphore_mem>>
    tpu.wait_indirect_dma semaphore(%dma_wait3A_173 : memref<!tpu.dma_semaphore, #tpu.memory_space<semaphore_mem>>) src(%dma_wait3A_171 : memref<1000000x32xf32, #tpu.memory_space<hbm>>) dst(%dma_wait3A_165 : memref<1664x32xf32, #tpu.memory_space<vmem>>)
    %add3A_174 = arith.constant 3328 : i32
    %add3A_175 = arith.addi %mul3A_2, %add3A_174 : i32
    %dma_start3A_176 = arith.constant 0 : i32
    %dma_start3A_177 = arith.constant 0 : i32
    %dma_start3A_178 = arith.constant 0 : i32
    %dma_start3A_179 = arith.constant 0 : i32
    %dma_start3A_180 = tpu.memref_slice %arg6[%dma_start3A_176, %dma_start3A_178, %dma_start3A_179] : memref<2x1664x32xf32, #tpu.memory_space<vmem>> -> memref<1x1664x32xf32, #tpu.memory_space<vmem>>
    %dma_start3A_181 = tpu.memref_squeeze %dma_start3A_180 : memref<1x1664x32xf32, #tpu.memory_space<vmem>> -> memref<1664x32xf32, #tpu.memory_space<vmem>>
    %dma_start3A_182 = arith.constant 0 : i32
    %dma_start3A_183 = tpu.memref_slice %arg4[%add3A_175, %dma_start3A_182] : memref<425984x32xf32, #tpu.memory_space<hbm>> -> memref<1664x32xf32, #tpu.memory_space<hbm>>
    %dma_start3A_184 = tpu.memref_slice %arg8[%dma_start3A_177] : memref<2x!tpu.dma_semaphore, #tpu.memory_space<semaphore_mem>> -> memref<1x!tpu.dma_semaphore, #tpu.memory_space<semaphore_mem>>
    %dma_start3A_185 = tpu.memref_squeeze %dma_start3A_184 : memref<1x!tpu.dma_semaphore, #tpu.memory_space<semaphore_mem>> -> memref<!tpu.dma_semaphore, #tpu.memory_space<semaphore_mem>>
    %dma_start3A_186 = arith.constant 0 : i32
    %dma_start3A_187 = tpu.memref_slice %arg4[%add3A_175, %dma_start3A_186] : memref<425984x32xf32, #tpu.memory_space<hbm>> -> memref<1664x32xf32, #tpu.memory_space<hbm>>
    %dma_start3A_188 = arith.constant 0 : i32
    %dma_start3A_189 = arith.constant 0 : i32
    %dma_start3A_190 = tpu.memref_slice %arg6[%dma_start3A_176, %dma_start3A_188, %dma_start3A_189] : memref<2x1664x32xf32, #tpu.memory_space<vmem>> -> memref<1x1664x32xf32, #tpu.memory_space<vmem>>
    %dma_start3A_191 = tpu.memref_squeeze %dma_start3A_190 : memref<1x1664x32xf32, #tpu.memory_space<vmem>> -> memref<1664x32xf32, #tpu.memory_space<vmem>>
    tpu.enqueue_dma source(%dma_start3A_191 : memref<1664x32xf32, #tpu.memory_space<vmem>>) target(%dma_start3A_187 : memref<1664x32xf32, #tpu.memory_space<hbm>>) target_semaphore(%dma_start3A_185 : memref<!tpu.dma_semaphore, #tpu.memory_space<semaphore_mem>>)
    %dma_wait3A_192 = arith.constant 0 : i32
    %dma_wait3A_193 = arith.constant 0 : i32
    %dma_wait3A_194 = arith.constant 0 : i32
    %dma_wait3A_195 = arith.constant 0 : i32
    %dma_wait3A_196 = tpu.memref_slice %arg6[%dma_wait3A_192, %dma_wait3A_194, %dma_wait3A_195] : memref<2x1664x32xf32, #tpu.memory_space<vmem>> -> memref<1x1664x32xf32, #tpu.memory_space<vmem>>
    %dma_wait3A_197 = tpu.memref_squeeze %dma_wait3A_196 : memref<1x1664x32xf32, #tpu.memory_space<vmem>> -> memref<1664x32xf32, #tpu.memory_space<vmem>>
    %dma_wait3A_198 = arith.constant 0 : i32
    %dma_wait3A_199 = tpu.memref_slice %arg4[%add3A_175, %dma_wait3A_198] : memref<425984x32xf32, #tpu.memory_space<hbm>> -> memref<1664x32xf32, #tpu.memory_space<hbm>>
    %dma_wait3A_200 = tpu.memref_slice %arg8[%dma_wait3A_193] : memref<2x!tpu.dma_semaphore, #tpu.memory_space<semaphore_mem>> -> memref<1x!tpu.dma_semaphore, #tpu.memory_space<semaphore_mem>>
    %dma_wait3A_201 = tpu.memref_squeeze %dma_wait3A_200 : memref<1x!tpu.dma_semaphore, #tpu.memory_space<semaphore_mem>> -> memref<!tpu.dma_semaphore, #tpu.memory_space<semaphore_mem>>
    %dma_wait3A_202 = arith.constant 0 : i32
    %dma_wait3A_203 = tpu.memref_slice %arg4[%add3A_175, %dma_wait3A_202] : memref<425984x32xf32, #tpu.memory_space<hbm>> -> memref<1664x32xf32, #tpu.memory_space<hbm>>
    %dma_wait3A_204 = arith.constant 0 : i32
    %dma_wait3A_205 = arith.constant 0 : i32
    %dma_wait3A_206 = tpu.memref_slice %arg6[%dma_wait3A_192, %dma_wait3A_204, %dma_wait3A_205] : memref<2x1664x32xf32, #tpu.memory_space<vmem>> -> memref<1x1664x32xf32, #tpu.memory_space<vmem>>
    %dma_wait3A_207 = tpu.memref_squeeze %dma_wait3A_206 : memref<1x1664x32xf32, #tpu.memory_space<vmem>> -> memref<1664x32xf32, #tpu.memory_space<vmem>>
    tpu.wait_dma2 semaphore(%dma_wait3A_201 : memref<!tpu.dma_semaphore, #tpu.memory_space<semaphore_mem>>) src(%dma_wait3A_207 : memref<1664x32xf32, #tpu.memory_space<vmem>>) dst(%dma_wait3A_203 : memref<1664x32xf32, #tpu.memory_space<hbm>>)
    %dma_start3A_208 = arith.constant 4 : i32
    %dma_start3A_209 = arith.constant 0 : i32
    %dma_start3A_210 = arith.constant 0 : i32
    %dma_start3A_211 = arith.constant 0 : i32
    %dma_start3A_212 = arith.constant 0 : i32
    %dma_start3A_213 = tpu.memref_slice %arg6[%dma_start3A_209, %dma_start3A_211, %dma_start3A_212] : memref<2x1664x32xf32, #tpu.memory_space<vmem>> -> memref<1x1664x32xf32, #tpu.memory_space<vmem>>
    %dma_start3A_214 = tpu.memref_squeeze %dma_start3A_213 : memref<1x1664x32xf32, #tpu.memory_space<vmem>> -> memref<1664x32xf32, #tpu.memory_space<vmem>>
    %dma_start3A_215 = arith.constant 0 : i32
    %dma_start3A_216 = tpu.memref_slice %arg5[%dma_start3A_208, %dma_start3A_215] : memref<8x1664xi32, #tpu.memory_space<vmem>> -> memref<1x1664xi32, #tpu.memory_space<vmem>>
    %dma_start3A_217 = tpu.memref_squeeze %dma_start3A_216 : memref<1x1664xi32, #tpu.memory_space<vmem>> -> memref<1664xi32, #tpu.memory_space<vmem>>
    %dma_start3A_218 = arith.constant 0 : i32
    %dma_start3A_219 = arith.constant 0 : i32
    %dma_start3A_220 = tpu.memref_slice %arg2[%dma_start3A_218, %dma_start3A_219] : memref<1000000x32xf32, #tpu.memory_space<hbm>> -> memref<1000000x32xf32, #tpu.memory_space<hbm>>
    %dma_start3A_221 = tpu.memref_slice %arg7[%dma_start3A_210] : memref<2x!tpu.dma_semaphore, #tpu.memory_space<semaphore_mem>> -> memref<1x!tpu.dma_semaphore, #tpu.memory_space<semaphore_mem>>
    %dma_start3A_222 = tpu.memref_squeeze %dma_start3A_221 : memref<1x!tpu.dma_semaphore, #tpu.memory_space<semaphore_mem>> -> memref<!tpu.dma_semaphore, #tpu.memory_space<semaphore_mem>>
    tpu.enqueue_indirect_dma source(%dma_start3A_220 : memref<1000000x32xf32, #tpu.memory_space<hbm>>) target(%dma_start3A_214 : memref<1664x32xf32, #tpu.memory_space<vmem>>) offsets(%dma_start3A_217 : memref<1664xi32, #tpu.memory_space<vmem>>) semaphore(%dma_start3A_222 : memref<!tpu.dma_semaphore, #tpu.memory_space<semaphore_mem>>)
    %dma_wait3A_223 = arith.constant 3 : i32
    %dma_wait3A_224 = arith.constant 1 : i32
    %dma_wait3A_225 = arith.constant 1 : i32
    %dma_wait3A_226 = arith.constant 0 : i32
    %dma_wait3A_227 = arith.constant 0 : i32
    %dma_wait3A_228 = tpu.memref_slice %arg6[%dma_wait3A_224, %dma_wait3A_226, %dma_wait3A_227] : memref<2x1664x32xf32, #tpu.memory_space<vmem>> -> memref<1x1664x32xf32, #tpu.memory_space<vmem>>
    %dma_wait3A_229 = tpu.memref_squeeze %dma_wait3A_228 : memref<1x1664x32xf32, #tpu.memory_space<vmem>> -> memref<1664x32xf32, #tpu.memory_space<vmem>>
    %dma_wait3A_230 = arith.constant 0 : i32
    %dma_wait3A_231 = tpu.memref_slice %arg5[%dma_wait3A_223, %dma_wait3A_230] : memref<8x1664xi32, #tpu.memory_space<vmem>> -> memref<1x1664xi32, #tpu.memory_space<vmem>>
    %dma_wait3A_232 = tpu.memref_squeeze %dma_wait3A_231 : memref<1x1664xi32, #tpu.memory_space<vmem>> -> memref<1664xi32, #tpu.memory_space<vmem>>
    %dma_wait3A_233 = arith.constant 0 : i32
    %dma_wait3A_234 = arith.constant 0 : i32
    %dma_wait3A_235 = tpu.memref_slice %arg2[%dma_wait3A_233, %dma_wait3A_234] : memref<1000000x32xf32, #tpu.memory_space<hbm>> -> memref<1000000x32xf32, #tpu.memory_space<hbm>>
    %dma_wait3A_236 = tpu.memref_slice %arg7[%dma_wait3A_225] : memref<2x!tpu.dma_semaphore, #tpu.memory_space<semaphore_mem>> -> memref<1x!tpu.dma_semaphore, #tpu.memory_space<semaphore_mem>>
    %dma_wait3A_237 = tpu.memref_squeeze %dma_wait3A_236 : memref<1x!tpu.dma_semaphore, #tpu.memory_space<semaphore_mem>> -> memref<!tpu.dma_semaphore, #tpu.memory_space<semaphore_mem>>
    tpu.wait_indirect_dma semaphore(%dma_wait3A_237 : memref<!tpu.dma_semaphore, #tpu.memory_space<semaphore_mem>>) src(%dma_wait3A_235 : memref<1000000x32xf32, #tpu.memory_space<hbm>>) dst(%dma_wait3A_229 : memref<1664x32xf32, #tpu.memory_space<vmem>>)
    %add3A_238 = arith.constant 4992 : i32
    %add3A_239 = arith.addi %mul3A_2, %add3A_238 : i32
    %dma_start3A_240 = arith.constant 1 : i32
    %dma_start3A_241 = arith.constant 1 : i32
    %dma_start3A_242 = arith.constant 0 : i32
    %dma_start3A_243 = arith.constant 0 : i32
    %dma_start3A_244 = tpu.memref_slice %arg6[%dma_start3A_240, %dma_start3A_242, %dma_start3A_243] : memref<2x1664x32xf32, #tpu.memory_space<vmem>> -> memref<1x1664x32xf32, #tpu.memory_space<vmem>>
    %dma_start3A_245 = tpu.memref_squeeze %dma_start3A_244 : memref<1x1664x32xf32, #tpu.memory_space<vmem>> -> memref<1664x32xf32, #tpu.memory_space<vmem>>
    %dma_start3A_246 = arith.constant 0 : i32
    %dma_start3A_247 = tpu.memref_slice %arg4[%add3A_239, %dma_start3A_246] : memref<425984x32xf32, #tpu.memory_space<hbm>> -> memref<1664x32xf32, #tpu.memory_space<hbm>>
    %dma_start3A_248 = tpu.memref_slice %arg8[%dma_start3A_241] : memref<2x!tpu.dma_semaphore, #tpu.memory_space<semaphore_mem>> -> memref<1x!tpu.dma_semaphore, #tpu.memory_space<semaphore_mem>>
    %dma_start3A_249 = tpu.memref_squeeze %dma_start3A_248 : memref<1x!tpu.dma_semaphore, #tpu.memory_space<semaphore_mem>> -> memref<!tpu.dma_semaphore, #tpu.memory_space<semaphore_mem>>
    %dma_start3A_250 = arith.constant 0 : i32
    %dma_start3A_251 = tpu.memref_slice %arg4[%add3A_239, %dma_start3A_250] : memref<425984x32xf32, #tpu.memory_space<hbm>> -> memref<1664x32xf32, #tpu.memory_space<hbm>>
    %dma_start3A_252 = arith.constant 0 : i32
    %dma_start3A_253 = arith.constant 0 : i32
    %dma_start3A_254 = tpu.memref_slice %arg6[%dma_start3A_240, %dma_start3A_252, %dma_start3A_253] : memref<2x1664x32xf32, #tpu.memory_space<vmem>> -> memref<1x1664x32xf32, #tpu.memory_space<vmem>>
    %dma_start3A_255 = tpu.memref_squeeze %dma_start3A_254 : memref<1x1664x32xf32, #tpu.memory_space<vmem>> -> memref<1664x32xf32, #tpu.memory_space<vmem>>
    tpu.enqueue_dma source(%dma_start3A_255 : memref<1664x32xf32, #tpu.memory_space<vmem>>) target(%dma_start3A_251 : memref<1664x32xf32, #tpu.memory_space<hbm>>) target_semaphore(%dma_start3A_249 : memref<!tpu.dma_semaphore, #tpu.memory_space<semaphore_mem>>)
    %dma_wait3A_256 = arith.constant 1 : i32
    %dma_wait3A_257 = arith.constant 1 : i32
    %dma_wait3A_258 = arith.constant 0 : i32
    %dma_wait3A_259 = arith.constant 0 : i32
    %dma_wait3A_260 = tpu.memref_slice %arg6[%dma_wait3A_256, %dma_wait3A_258, %dma_wait3A_259] : memref<2x1664x32xf32, #tpu.memory_space<vmem>> -> memref<1x1664x32xf32, #tpu.memory_space<vmem>>
    %dma_wait3A_261 = tpu.memref_squeeze %dma_wait3A_260 : memref<1x1664x32xf32, #tpu.memory_space<vmem>> -> memref<1664x32xf32, #tpu.memory_space<vmem>>
    %dma_wait3A_262 = arith.constant 0 : i32
    %dma_wait3A_263 = tpu.memref_slice %arg4[%add3A_239, %dma_wait3A_262] : memref<425984x32xf32, #tpu.memory_space<hbm>> -> memref<1664x32xf32, #tpu.memory_space<hbm>>
    %dma_wait3A_264 = tpu.memref_slice %arg8[%dma_wait3A_257] : memref<2x!tpu.dma_semaphore, #tpu.memory_space<semaphore_mem>> -> memref<1x!tpu.dma_semaphore, #tpu.memory_space<semaphore_mem>>
    %dma_wait3A_265 = tpu.memref_squeeze %dma_wait3A_264 : memref<1x!tpu.dma_semaphore, #tpu.memory_space<semaphore_mem>> -> memref<!tpu.dma_semaphore, #tpu.memory_space<semaphore_mem>>
    %dma_wait3A_266 = arith.constant 0 : i32
    %dma_wait3A_267 = tpu.memref_slice %arg4[%add3A_239, %dma_wait3A_266] : memref<425984x32xf32, #tpu.memory_space<hbm>> -> memref<1664x32xf32, #tpu.memory_space<hbm>>
    %dma_wait3A_268 = arith.constant 0 : i32
    %dma_wait3A_269 = arith.constant 0 : i32
    %dma_wait3A_270 = tpu.memref_slice %arg6[%dma_wait3A_256, %dma_wait3A_268, %dma_wait3A_269] : memref<2x1664x32xf32, #tpu.memory_space<vmem>> -> memref<1x1664x32xf32, #tpu.memory_space<vmem>>
    %dma_wait3A_271 = tpu.memref_squeeze %dma_wait3A_270 : memref<1x1664x32xf32, #tpu.memory_space<vmem>> -> memref<1664x32xf32, #tpu.memory_space<vmem>>
    tpu.wait_dma2 semaphore(%dma_wait3A_265 : memref<!tpu.dma_semaphore, #tpu.memory_space<semaphore_mem>>) src(%dma_wait3A_271 : memref<1664x32xf32, #tpu.memory_space<vmem>>) dst(%dma_wait3A_267 : memref<1664x32xf32, #tpu.memory_space<hbm>>)
    %dma_start3A_272 = arith.constant 5 : i32
    %dma_start3A_273 = arith.constant 1 : i32
    %dma_start3A_274 = arith.constant 1 : i32
    %dma_start3A_275 = arith.constant 0 : i32
    %dma_start3A_276 = arith.constant 0 : i32
    %dma_start3A_277 = tpu.memref_slice %arg6[%dma_start3A_273, %dma_start3A_275, %dma_start3A_276] : memref<2x1664x32xf32, #tpu.memory_space<vmem>> -> memref<1x1664x32xf32, #tpu.memory_space<vmem>>
    %dma_start3A_278 = tpu.memref_squeeze %dma_start3A_277 : memref<1x1664x32xf32, #tpu.memory_space<vmem>> -> memref<1664x32xf32, #tpu.memory_space<vmem>>
    %dma_start3A_279 = arith.constant 0 : i32
    %dma_start3A_280 = tpu.memref_slice %arg5[%dma_start3A_272, %dma_start3A_279] : memref<8x1664xi32, #tpu.memory_space<vmem>> -> memref<1x1664xi32, #tpu.memory_space<vmem>>
    %dma_start3A_281 = tpu.memref_squeeze %dma_start3A_280 : memref<1x1664xi32, #tpu.memory_space<vmem>> -> memref<1664xi32, #tpu.memory_space<vmem>>
    %dma_start3A_282 = arith.constant 0 : i32
    %dma_start3A_283 = arith.constant 0 : i32
    %dma_start3A_284 = tpu.memref_slice %arg2[%dma_start3A_282, %dma_start3A_283] : memref<1000000x32xf32, #tpu.memory_space<hbm>> -> memref<1000000x32xf32, #tpu.memory_space<hbm>>
    %dma_start3A_285 = tpu.memref_slice %arg7[%dma_start3A_274] : memref<2x!tpu.dma_semaphore, #tpu.memory_space<semaphore_mem>> -> memref<1x!tpu.dma_semaphore, #tpu.memory_space<semaphore_mem>>
    %dma_start3A_286 = tpu.memref_squeeze %dma_start3A_285 : memref<1x!tpu.dma_semaphore, #tpu.memory_space<semaphore_mem>> -> memref<!tpu.dma_semaphore, #tpu.memory_space<semaphore_mem>>
    tpu.enqueue_indirect_dma source(%dma_start3A_284 : memref<1000000x32xf32, #tpu.memory_space<hbm>>) target(%dma_start3A_278 : memref<1664x32xf32, #tpu.memory_space<vmem>>) offsets(%dma_start3A_281 : memref<1664xi32, #tpu.memory_space<vmem>>) semaphore(%dma_start3A_286 : memref<!tpu.dma_semaphore, #tpu.memory_space<semaphore_mem>>)
    %dma_wait3A_287 = arith.constant 4 : i32
    %dma_wait3A_288 = arith.constant 0 : i32
    %dma_wait3A_289 = arith.constant 0 : i32
    %dma_wait3A_290 = arith.constant 0 : i32
    %dma_wait3A_291 = arith.constant 0 : i32
    %dma_wait3A_292 = tpu.memref_slice %arg6[%dma_wait3A_288, %dma_wait3A_290, %dma_wait3A_291] : memref<2x1664x32xf32, #tpu.memory_space<vmem>> -> memref<1x1664x32xf32, #tpu.memory_space<vmem>>
    %dma_wait3A_293 = tpu.memref_squeeze %dma_wait3A_292 : memref<1x1664x32xf32, #tpu.memory_space<vmem>> -> memref<1664x32xf32, #tpu.memory_space<vmem>>
    %dma_wait3A_294 = arith.constant 0 : i32
    %dma_wait3A_295 = tpu.memref_slice %arg5[%dma_wait3A_287, %dma_wait3A_294] : memref<8x1664xi32, #tpu.memory_space<vmem>> -> memref<1x1664xi32, #tpu.memory_space<vmem>>
    %dma_wait3A_296 = tpu.memref_squeeze %dma_wait3A_295 : memref<1x1664xi32, #tpu.memory_space<vmem>> -> memref<1664xi32, #tpu.memory_space<vmem>>
    %dma_wait3A_297 = arith.constant 0 : i32
    %dma_wait3A_298 = arith.constant 0 : i32
    %dma_wait3A_299 = tpu.memref_slice %arg2[%dma_wait3A_297, %dma_wait3A_298] : memref<1000000x32xf32, #tpu.memory_space<hbm>> -> memref<1000000x32xf32, #tpu.memory_space<hbm>>
    %dma_wait3A_300 = tpu.memref_slice %arg7[%dma_wait3A_289] : memref<2x!tpu.dma_semaphore, #tpu.memory_space<semaphore_mem>> -> memref<1x!tpu.dma_semaphore, #tpu.memory_space<semaphore_mem>>
    %dma_wait3A_301 = tpu.memref_squeeze %dma_wait3A_300 : memref<1x!tpu.dma_semaphore, #tpu.memory_space<semaphore_mem>> -> memref<!tpu.dma_semaphore, #tpu.memory_space<semaphore_mem>>
    tpu.wait_indirect_dma semaphore(%dma_wait3A_301 : memref<!tpu.dma_semaphore, #tpu.memory_space<semaphore_mem>>) src(%dma_wait3A_299 : memref<1000000x32xf32, #tpu.memory_space<hbm>>) dst(%dma_wait3A_293 : memref<1664x32xf32, #tpu.memory_space<vmem>>)
    %add3A_302 = arith.constant 6656 : i32
    %add3A_303 = arith.addi %mul3A_2, %add3A_302 : i32
    %dma_start3A_304 = arith.constant 0 : i32
    %dma_start3A_305 = arith.constant 0 : i32
    %dma_start3A_306 = arith.constant 0 : i32
    %dma_start3A_307 = arith.constant 0 : i32
    %dma_start3A_308 = tpu.memref_slice %arg6[%dma_start3A_304, %dma_start3A_306, %dma_start3A_307] : memref<2x1664x32xf32, #tpu.memory_space<vmem>> -> memref<1x1664x32xf32, #tpu.memory_space<vmem>>
    %dma_start3A_309 = tpu.memref_squeeze %dma_start3A_308 : memref<1x1664x32xf32, #tpu.memory_space<vmem>> -> memref<1664x32xf32, #tpu.memory_space<vmem>>
    %dma_start3A_310 = arith.constant 0 : i32
    %dma_start3A_311 = tpu.memref_slice %arg4[%add3A_303, %dma_start3A_310] : memref<425984x32xf32, #tpu.memory_space<hbm>> -> memref<1664x32xf32, #tpu.memory_space<hbm>>
    %dma_start3A_312 = tpu.memref_slice %arg8[%dma_start3A_305] : memref<2x!tpu.dma_semaphore, #tpu.memory_space<semaphore_mem>> -> memref<1x!tpu.dma_semaphore, #tpu.memory_space<semaphore_mem>>
    %dma_start3A_313 = tpu.memref_squeeze %dma_start3A_312 : memref<1x!tpu.dma_semaphore, #tpu.memory_space<semaphore_mem>> -> memref<!tpu.dma_semaphore, #tpu.memory_space<semaphore_mem>>
    %dma_start3A_314 = arith.constant 0 : i32
    %dma_start3A_315 = tpu.memref_slice %arg4[%add3A_303, %dma_start3A_314] : memref<425984x32xf32, #tpu.memory_space<hbm>> -> memref<1664x32xf32, #tpu.memory_space<hbm>>
    %dma_start3A_316 = arith.constant 0 : i32
    %dma_start3A_317 = arith.constant 0 : i32
    %dma_start3A_318 = tpu.memref_slice %arg6[%dma_start3A_304, %dma_start3A_316, %dma_start3A_317] : memref<2x1664x32xf32, #tpu.memory_space<vmem>> -> memref<1x1664x32xf32, #tpu.memory_space<vmem>>
    %dma_start3A_319 = tpu.memref_squeeze %dma_start3A_318 : memref<1x1664x32xf32, #tpu.memory_space<vmem>> -> memref<1664x32xf32, #tpu.memory_space<vmem>>
    tpu.enqueue_dma source(%dma_start3A_319 : memref<1664x32xf32, #tpu.memory_space<vmem>>) target(%dma_start3A_315 : memref<1664x32xf32, #tpu.memory_space<hbm>>) target_semaphore(%dma_start3A_313 : memref<!tpu.dma_semaphore, #tpu.memory_space<semaphore_mem>>)
    %dma_wait3A_320 = arith.constant 0 : i32
    %dma_wait3A_321 = arith.constant 0 : i32
    %dma_wait3A_322 = arith.constant 0 : i32
    %dma_wait3A_323 = arith.constant 0 : i32
    %dma_wait3A_324 = tpu.memref_slice %arg6[%dma_wait3A_320, %dma_wait3A_322, %dma_wait3A_323] : memref<2x1664x32xf32, #tpu.memory_space<vmem>> -> memref<1x1664x32xf32, #tpu.memory_space<vmem>>
    %dma_wait3A_325 = tpu.memref_squeeze %dma_wait3A_324 : memref<1x1664x32xf32, #tpu.memory_space<vmem>> -> memref<1664x32xf32, #tpu.memory_space<vmem>>
    %dma_wait3A_326 = arith.constant 0 : i32
    %dma_wait3A_327 = tpu.memref_slice %arg4[%add3A_303, %dma_wait3A_326] : memref<425984x32xf32, #tpu.memory_space<hbm>> -> memref<1664x32xf32, #tpu.memory_space<hbm>>
    %dma_wait3A_328 = tpu.memref_slice %arg8[%dma_wait3A_321] : memref<2x!tpu.dma_semaphore, #tpu.memory_space<semaphore_mem>> -> memref<1x!tpu.dma_semaphore, #tpu.memory_space<semaphore_mem>>
    %dma_wait3A_329 = tpu.memref_squeeze %dma_wait3A_328 : memref<1x!tpu.dma_semaphore, #tpu.memory_space<semaphore_mem>> -> memref<!tpu.dma_semaphore, #tpu.memory_space<semaphore_mem>>
    %dma_wait3A_330 = arith.constant 0 : i32
    %dma_wait3A_331 = tpu.memref_slice %arg4[%add3A_303, %dma_wait3A_330] : memref<425984x32xf32, #tpu.memory_space<hbm>> -> memref<1664x32xf32, #tpu.memory_space<hbm>>
    %dma_wait3A_332 = arith.constant 0 : i32
    %dma_wait3A_333 = arith.constant 0 : i32
    %dma_wait3A_334 = tpu.memref_slice %arg6[%dma_wait3A_320, %dma_wait3A_332, %dma_wait3A_333] : memref<2x1664x32xf32, #tpu.memory_space<vmem>> -> memref<1x1664x32xf32, #tpu.memory_space<vmem>>
    %dma_wait3A_335 = tpu.memref_squeeze %dma_wait3A_334 : memref<1x1664x32xf32, #tpu.memory_space<vmem>> -> memref<1664x32xf32, #tpu.memory_space<vmem>>
    tpu.wait_dma2 semaphore(%dma_wait3A_329 : memref<!tpu.dma_semaphore, #tpu.memory_space<semaphore_mem>>) src(%dma_wait3A_335 : memref<1664x32xf32, #tpu.memory_space<vmem>>) dst(%dma_wait3A_331 : memref<1664x32xf32, #tpu.memory_space<hbm>>)
    %dma_start3A_336 = arith.constant 6 : i32
    %dma_start3A_337 = arith.constant 0 : i32
    %dma_start3A_338 = arith.constant 0 : i32
    %dma_start3A_339 = arith.constant 0 : i32
    %dma_start3A_340 = arith.constant 0 : i32
    %dma_start3A_341 = tpu.memref_slice %arg6[%dma_start3A_337, %dma_start3A_339, %dma_start3A_340] : memref<2x1664x32xf32, #tpu.memory_space<vmem>> -> memref<1x1664x32xf32, #tpu.memory_space<vmem>>
    %dma_start3A_342 = tpu.memref_squeeze %dma_start3A_341 : memref<1x1664x32xf32, #tpu.memory_space<vmem>> -> memref<1664x32xf32, #tpu.memory_space<vmem>>
    %dma_start3A_343 = arith.constant 0 : i32
    %dma_start3A_344 = tpu.memref_slice %arg5[%dma_start3A_336, %dma_start3A_343] : memref<8x1664xi32, #tpu.memory_space<vmem>> -> memref<1x1664xi32, #tpu.memory_space<vmem>>
    %dma_start3A_345 = tpu.memref_squeeze %dma_start3A_344 : memref<1x1664xi32, #tpu.memory_space<vmem>> -> memref<1664xi32, #tpu.memory_space<vmem>>
    %dma_start3A_346 = arith.constant 0 : i32
    %dma_start3A_347 = arith.constant 0 : i32
    %dma_start3A_348 = tpu.memref_slice %arg2[%dma_start3A_346, %dma_start3A_347] : memref<1000000x32xf32, #tpu.memory_space<hbm>> -> memref<1000000x32xf32, #tpu.memory_space<hbm>>
    %dma_start3A_349 = tpu.memref_slice %arg7[%dma_start3A_338] : memref<2x!tpu.dma_semaphore, #tpu.memory_space<semaphore_mem>> -> memref<1x!tpu.dma_semaphore, #tpu.memory_space<semaphore_mem>>
    %dma_start3A_350 = tpu.memref_squeeze %dma_start3A_349 : memref<1x!tpu.dma_semaphore, #tpu.memory_space<semaphore_mem>> -> memref<!tpu.dma_semaphore, #tpu.memory_space<semaphore_mem>>
    tpu.enqueue_indirect_dma source(%dma_start3A_348 : memref<1000000x32xf32, #tpu.memory_space<hbm>>) target(%dma_start3A_342 : memref<1664x32xf32, #tpu.memory_space<vmem>>) offsets(%dma_start3A_345 : memref<1664xi32, #tpu.memory_space<vmem>>) semaphore(%dma_start3A_350 : memref<!tpu.dma_semaphore, #tpu.memory_space<semaphore_mem>>)
    %dma_wait3A_351 = arith.constant 5 : i32
    %dma_wait3A_352 = arith.constant 1 : i32
    %dma_wait3A_353 = arith.constant 1 : i32
    %dma_wait3A_354 = arith.constant 0 : i32
    %dma_wait3A_355 = arith.constant 0 : i32
    %dma_wait3A_356 = tpu.memref_slice %arg6[%dma_wait3A_352, %dma_wait3A_354, %dma_wait3A_355] : memref<2x1664x32xf32, #tpu.memory_space<vmem>> -> memref<1x1664x32xf32, #tpu.memory_space<vmem>>
    %dma_wait3A_357 = tpu.memref_squeeze %dma_wait3A_356 : memref<1x1664x32xf32, #tpu.memory_space<vmem>> -> memref<1664x32xf32, #tpu.memory_space<vmem>>
    %dma_wait3A_358 = arith.constant 0 : i32
    %dma_wait3A_359 = tpu.memref_slice %arg5[%dma_wait3A_351, %dma_wait3A_358] : memref<8x1664xi32, #tpu.memory_space<vmem>> -> memref<1x1664xi32, #tpu.memory_space<vmem>>
    %dma_wait3A_360 = tpu.memref_squeeze %dma_wait3A_359 : memref<1x1664xi32, #tpu.memory_space<vmem>> -> memref<1664xi32, #tpu.memory_space<vmem>>
    %dma_wait3A_361 = arith.constant 0 : i32
    %dma_wait3A_362 = arith.constant 0 : i32
    %dma_wait3A_363 = tpu.memref_slice %arg2[%dma_wait3A_361, %dma_wait3A_362] : memref<1000000x32xf32, #tpu.memory_space<hbm>> -> memref<1000000x32xf32, #tpu.memory_space<hbm>>
    %dma_wait3A_364 = tpu.memref_slice %arg7[%dma_wait3A_353] : memref<2x!tpu.dma_semaphore, #tpu.memory_space<semaphore_mem>> -> memref<1x!tpu.dma_semaphore, #tpu.memory_space<semaphore_mem>>
    %dma_wait3A_365 = tpu.memref_squeeze %dma_wait3A_364 : memref<1x!tpu.dma_semaphore, #tpu.memory_space<semaphore_mem>> -> memref<!tpu.dma_semaphore, #tpu.memory_space<semaphore_mem>>
    tpu.wait_indirect_dma semaphore(%dma_wait3A_365 : memref<!tpu.dma_semaphore, #tpu.memory_space<semaphore_mem>>) src(%dma_wait3A_363 : memref<1000000x32xf32, #tpu.memory_space<hbm>>) dst(%dma_wait3A_357 : memref<1664x32xf32, #tpu.memory_space<vmem>>)
    %add3A_366 = arith.constant 8320 : i32
    %add3A_367 = arith.addi %mul3A_2, %add3A_366 : i32
    %dma_start3A_368 = arith.constant 1 : i32
    %dma_start3A_369 = arith.constant 1 : i32
    %dma_start3A_370 = arith.constant 0 : i32
    %dma_start3A_371 = arith.constant 0 : i32
    %dma_start3A_372 = tpu.memref_slice %arg6[%dma_start3A_368, %dma_start3A_370, %dma_start3A_371] : memref<2x1664x32xf32, #tpu.memory_space<vmem>> -> memref<1x1664x32xf32, #tpu.memory_space<vmem>>
    %dma_start3A_373 = tpu.memref_squeeze %dma_start3A_372 : memref<1x1664x32xf32, #tpu.memory_space<vmem>> -> memref<1664x32xf32, #tpu.memory_space<vmem>>
    %dma_start3A_374 = arith.constant 0 : i32
    %dma_start3A_375 = tpu.memref_slice %arg4[%add3A_367, %dma_start3A_374] : memref<425984x32xf32, #tpu.memory_space<hbm>> -> memref<1664x32xf32, #tpu.memory_space<hbm>>
    %dma_start3A_376 = tpu.memref_slice %arg8[%dma_start3A_369] : memref<2x!tpu.dma_semaphore, #tpu.memory_space<semaphore_mem>> -> memref<1x!tpu.dma_semaphore, #tpu.memory_space<semaphore_mem>>
    %dma_start3A_377 = tpu.memref_squeeze %dma_start3A_376 : memref<1x!tpu.dma_semaphore, #tpu.memory_space<semaphore_mem>> -> memref<!tpu.dma_semaphore, #tpu.memory_space<semaphore_mem>>
    %dma_start3A_378 = arith.constant 0 : i32
    %dma_start3A_379 = tpu.memref_slice %arg4[%add3A_367, %dma_start3A_378] : memref<425984x32xf32, #tpu.memory_space<hbm>> -> memref<1664x32xf32, #tpu.memory_space<hbm>>
    %dma_start3A_380 = arith.constant 0 : i32
    %dma_start3A_381 = arith.constant 0 : i32
    %dma_start3A_382 = tpu.memref_slice %arg6[%dma_start3A_368, %dma_start3A_380, %dma_start3A_381] : memref<2x1664x32xf32, #tpu.memory_space<vmem>> -> memref<1x1664x32xf32, #tpu.memory_space<vmem>>
    %dma_start3A_383 = tpu.memref_squeeze %dma_start3A_382 : memref<1x1664x32xf32, #tpu.memory_space<vmem>> -> memref<1664x32xf32, #tpu.memory_space<vmem>>
    tpu.enqueue_dma source(%dma_start3A_383 : memref<1664x32xf32, #tpu.memory_space<vmem>>) target(%dma_start3A_379 : memref<1664x32xf32, #tpu.memory_space<hbm>>) target_semaphore(%dma_start3A_377 : memref<!tpu.dma_semaphore, #tpu.memory_space<semaphore_mem>>)
    %dma_wait3A_384 = arith.constant 1 : i32
    %dma_wait3A_385 = arith.constant 1 : i32
    %dma_wait3A_386 = arith.constant 0 : i32
    %dma_wait3A_387 = arith.constant 0 : i32
    %dma_wait3A_388 = tpu.memref_slice %arg6[%dma_wait3A_384, %dma_wait3A_386, %dma_wait3A_387] : memref<2x1664x32xf32, #tpu.memory_space<vmem>> -> memref<1x1664x32xf32, #tpu.memory_space<vmem>>
    %dma_wait3A_389 = tpu.memref_squeeze %dma_wait3A_388 : memref<1x1664x32xf32, #tpu.memory_space<vmem>> -> memref<1664x32xf32, #tpu.memory_space<vmem>>
    %dma_wait3A_390 = arith.constant 0 : i32
    %dma_wait3A_391 = tpu.memref_slice %arg4[%add3A_367, %dma_wait3A_390] : memref<425984x32xf32, #tpu.memory_space<hbm>> -> memref<1664x32xf32, #tpu.memory_space<hbm>>
    %dma_wait3A_392 = tpu.memref_slice %arg8[%dma_wait3A_385] : memref<2x!tpu.dma_semaphore, #tpu.memory_space<semaphore_mem>> -> memref<1x!tpu.dma_semaphore, #tpu.memory_space<semaphore_mem>>
    %dma_wait3A_393 = tpu.memref_squeeze %dma_wait3A_392 : memref<1x!tpu.dma_semaphore, #tpu.memory_space<semaphore_mem>> -> memref<!tpu.dma_semaphore, #tpu.memory_space<semaphore_mem>>
    %dma_wait3A_394 = arith.constant 0 : i32
    %dma_wait3A_395 = tpu.memref_slice %arg4[%add3A_367, %dma_wait3A_394] : memref<425984x32xf32, #tpu.memory_space<hbm>> -> memref<1664x32xf32, #tpu.memory_space<hbm>>
    %dma_wait3A_396 = arith.constant 0 : i32
    %dma_wait3A_397 = arith.constant 0 : i32
    %dma_wait3A_398 = tpu.memref_slice %arg6[%dma_wait3A_384, %dma_wait3A_396, %dma_wait3A_397] : memref<2x1664x32xf32, #tpu.memory_space<vmem>> -> memref<1x1664x32xf32, #tpu.memory_space<vmem>>
    %dma_wait3A_399 = tpu.memref_squeeze %dma_wait3A_398 : memref<1x1664x32xf32, #tpu.memory_space<vmem>> -> memref<1664x32xf32, #tpu.memory_space<vmem>>
    tpu.wait_dma2 semaphore(%dma_wait3A_393 : memref<!tpu.dma_semaphore, #tpu.memory_space<semaphore_mem>>) src(%dma_wait3A_399 : memref<1664x32xf32, #tpu.memory_space<vmem>>) dst(%dma_wait3A_395 : memref<1664x32xf32, #tpu.memory_space<hbm>>)
    %dma_start3A_400 = arith.constant 7 : i32
    %dma_start3A_401 = arith.constant 1 : i32
    %dma_start3A_402 = arith.constant 1 : i32
    %dma_start3A_403 = arith.constant 0 : i32
    %dma_start3A_404 = arith.constant 0 : i32
    %dma_start3A_405 = tpu.memref_slice %arg6[%dma_start3A_401, %dma_start3A_403, %dma_start3A_404] : memref<2x1664x32xf32, #tpu.memory_space<vmem>> -> memref<1x1664x32xf32, #tpu.memory_space<vmem>>
    %dma_start3A_406 = tpu.memref_squeeze %dma_start3A_405 : memref<1x1664x32xf32, #tpu.memory_space<vmem>> -> memref<1664x32xf32, #tpu.memory_space<vmem>>
    %dma_start3A_407 = arith.constant 0 : i32
    %dma_start3A_408 = tpu.memref_slice %arg5[%dma_start3A_400, %dma_start3A_407] : memref<8x1664xi32, #tpu.memory_space<vmem>> -> memref<1x1664xi32, #tpu.memory_space<vmem>>
    %dma_start3A_409 = tpu.memref_squeeze %dma_start3A_408 : memref<1x1664xi32, #tpu.memory_space<vmem>> -> memref<1664xi32, #tpu.memory_space<vmem>>
    %dma_start3A_410 = arith.constant 0 : i32
    %dma_start3A_411 = arith.constant 0 : i32
    %dma_start3A_412 = tpu.memref_slice %arg2[%dma_start3A_410, %dma_start3A_411] : memref<1000000x32xf32, #tpu.memory_space<hbm>> -> memref<1000000x32xf32, #tpu.memory_space<hbm>>
    %dma_start3A_413 = tpu.memref_slice %arg7[%dma_start3A_402] : memref<2x!tpu.dma_semaphore, #tpu.memory_space<semaphore_mem>> -> memref<1x!tpu.dma_semaphore, #tpu.memory_space<semaphore_mem>>
    %dma_start3A_414 = tpu.memref_squeeze %dma_start3A_413 : memref<1x!tpu.dma_semaphore, #tpu.memory_space<semaphore_mem>> -> memref<!tpu.dma_semaphore, #tpu.memory_space<semaphore_mem>>
    tpu.enqueue_indirect_dma source(%dma_start3A_412 : memref<1000000x32xf32, #tpu.memory_space<hbm>>) target(%dma_start3A_406 : memref<1664x32xf32, #tpu.memory_space<vmem>>) offsets(%dma_start3A_409 : memref<1664xi32, #tpu.memory_space<vmem>>) semaphore(%dma_start3A_414 : memref<!tpu.dma_semaphore, #tpu.memory_space<semaphore_mem>>)
    %dma_wait3A_415 = arith.constant 6 : i32
    %dma_wait3A_416 = arith.constant 0 : i32
    %dma_wait3A_417 = arith.constant 0 : i32
    %dma_wait3A_418 = arith.constant 0 : i32
    %dma_wait3A_419 = arith.constant 0 : i32
    %dma_wait3A_420 = tpu.memref_slice %arg6[%dma_wait3A_416, %dma_wait3A_418, %dma_wait3A_419] : memref<2x1664x32xf32, #tpu.memory_space<vmem>> -> memref<1x1664x32xf32, #tpu.memory_space<vmem>>
    %dma_wait3A_421 = tpu.memref_squeeze %dma_wait3A_420 : memref<1x1664x32xf32, #tpu.memory_space<vmem>> -> memref<1664x32xf32, #tpu.memory_space<vmem>>
    %dma_wait3A_422 = arith.constant 0 : i32
    %dma_wait3A_423 = tpu.memref_slice %arg5[%dma_wait3A_415, %dma_wait3A_422] : memref<8x1664xi32, #tpu.memory_space<vmem>> -> memref<1x1664xi32, #tpu.memory_space<vmem>>
    %dma_wait3A_424 = tpu.memref_squeeze %dma_wait3A_423 : memref<1x1664xi32, #tpu.memory_space<vmem>> -> memref<1664xi32, #tpu.memory_space<vmem>>
    %dma_wait3A_425 = arith.constant 0 : i32
    %dma_wait3A_426 = arith.constant 0 : i32
    %dma_wait3A_427 = tpu.memref_slice %arg2[%dma_wait3A_425, %dma_wait3A_426] : memref<1000000x32xf32, #tpu.memory_space<hbm>> -> memref<1000000x32xf32, #tpu.memory_space<hbm>>
    %dma_wait3A_428 = tpu.memref_slice %arg7[%dma_wait3A_417] : memref<2x!tpu.dma_semaphore, #tpu.memory_space<semaphore_mem>> -> memref<1x!tpu.dma_semaphore, #tpu.memory_space<semaphore_mem>>
    %dma_wait3A_429 = tpu.memref_squeeze %dma_wait3A_428 : memref<1x!tpu.dma_semaphore, #tpu.memory_space<semaphore_mem>> -> memref<!tpu.dma_semaphore, #tpu.memory_space<semaphore_mem>>
    tpu.wait_indirect_dma semaphore(%dma_wait3A_429 : memref<!tpu.dma_semaphore, #tpu.memory_space<semaphore_mem>>) src(%dma_wait3A_427 : memref<1000000x32xf32, #tpu.memory_space<hbm>>) dst(%dma_wait3A_421 : memref<1664x32xf32, #tpu.memory_space<vmem>>)
    %add3A_430 = arith.constant 9984 : i32
    %add3A_431 = arith.addi %mul3A_2, %add3A_430 : i32
    %dma_start3A_432 = arith.constant 0 : i32
    %dma_start3A_433 = arith.constant 0 : i32
    %dma_start3A_434 = arith.constant 0 : i32
    %dma_start3A_435 = arith.constant 0 : i32
    %dma_start3A_436 = tpu.memref_slice %arg6[%dma_start3A_432, %dma_start3A_434, %dma_start3A_435] : memref<2x1664x32xf32, #tpu.memory_space<vmem>> -> memref<1x1664x32xf32, #tpu.memory_space<vmem>>
    %dma_start3A_437 = tpu.memref_squeeze %dma_start3A_436 : memref<1x1664x32xf32, #tpu.memory_space<vmem>> -> memref<1664x32xf32, #tpu.memory_space<vmem>>
    %dma_start3A_438 = arith.constant 0 : i32
    %dma_start3A_439 = tpu.memref_slice %arg4[%add3A_431, %dma_start3A_438] : memref<425984x32xf32, #tpu.memory_space<hbm>> -> memref<1664x32xf32, #tpu.memory_space<hbm>>
    %dma_start3A_440 = tpu.memref_slice %arg8[%dma_start3A_433] : memref<2x!tpu.dma_semaphore, #tpu.memory_space<semaphore_mem>> -> memref<1x!tpu.dma_semaphore, #tpu.memory_space<semaphore_mem>>
    %dma_start3A_441 = tpu.memref_squeeze %dma_start3A_440 : memref<1x!tpu.dma_semaphore, #tpu.memory_space<semaphore_mem>> -> memref<!tpu.dma_semaphore, #tpu.memory_space<semaphore_mem>>
    %dma_start3A_442 = arith.constant 0 : i32
    %dma_start3A_443 = tpu.memref_slice %arg4[%add3A_431, %dma_start3A_442] : memref<425984x32xf32, #tpu.memory_space<hbm>> -> memref<1664x32xf32, #tpu.memory_space<hbm>>
    %dma_start3A_444 = arith.constant 0 : i32
    %dma_start3A_445 = arith.constant 0 : i32
    %dma_start3A_446 = tpu.memref_slice %arg6[%dma_start3A_432, %dma_start3A_444, %dma_start3A_445] : memref<2x1664x32xf32, #tpu.memory_space<vmem>> -> memref<1x1664x32xf32, #tpu.memory_space<vmem>>
    %dma_start3A_447 = tpu.memref_squeeze %dma_start3A_446 : memref<1x1664x32xf32, #tpu.memory_space<vmem>> -> memref<1664x32xf32, #tpu.memory_space<vmem>>
    tpu.enqueue_dma source(%dma_start3A_447 : memref<1664x32xf32, #tpu.memory_space<vmem>>) target(%dma_start3A_443 : memref<1664x32xf32, #tpu.memory_space<hbm>>) target_semaphore(%dma_start3A_441 : memref<!tpu.dma_semaphore, #tpu.memory_space<semaphore_mem>>)
    %dma_wait3A_448 = arith.constant 7 : i32
    %dma_wait3A_449 = arith.constant 1 : i32
    %dma_wait3A_450 = arith.constant 1 : i32
    %dma_wait3A_451 = arith.constant 0 : i32
    %dma_wait3A_452 = arith.constant 0 : i32
    %dma_wait3A_453 = tpu.memref_slice %arg6[%dma_wait3A_449, %dma_wait3A_451, %dma_wait3A_452] : memref<2x1664x32xf32, #tpu.memory_space<vmem>> -> memref<1x1664x32xf32, #tpu.memory_space<vmem>>
    %dma_wait3A_454 = tpu.memref_squeeze %dma_wait3A_453 : memref<1x1664x32xf32, #tpu.memory_space<vmem>> -> memref<1664x32xf32, #tpu.memory_space<vmem>>
    %dma_wait3A_455 = arith.constant 0 : i32
    %dma_wait3A_456 = tpu.memref_slice %arg5[%dma_wait3A_448, %dma_wait3A_455] : memref<8x1664xi32, #tpu.memory_space<vmem>> -> memref<1x1664xi32, #tpu.memory_space<vmem>>
    %dma_wait3A_457 = tpu.memref_squeeze %dma_wait3A_456 : memref<1x1664xi32, #tpu.memory_space<vmem>> -> memref<1664xi32, #tpu.memory_space<vmem>>
    %dma_wait3A_458 = arith.constant 0 : i32
    %dma_wait3A_459 = arith.constant 0 : i32
    %dma_wait3A_460 = tpu.memref_slice %arg2[%dma_wait3A_458, %dma_wait3A_459] : memref<1000000x32xf32, #tpu.memory_space<hbm>> -> memref<1000000x32xf32, #tpu.memory_space<hbm>>
    %dma_wait3A_461 = tpu.memref_slice %arg7[%dma_wait3A_450] : memref<2x!tpu.dma_semaphore, #tpu.memory_space<semaphore_mem>> -> memref<1x!tpu.dma_semaphore, #tpu.memory_space<semaphore_mem>>
    %dma_wait3A_462 = tpu.memref_squeeze %dma_wait3A_461 : memref<1x!tpu.dma_semaphore, #tpu.memory_space<semaphore_mem>> -> memref<!tpu.dma_semaphore, #tpu.memory_space<semaphore_mem>>
    tpu.wait_indirect_dma semaphore(%dma_wait3A_462 : memref<!tpu.dma_semaphore, #tpu.memory_space<semaphore_mem>>) src(%dma_wait3A_460 : memref<1000000x32xf32, #tpu.memory_space<hbm>>) dst(%dma_wait3A_454 : memref<1664x32xf32, #tpu.memory_space<vmem>>)
    %add3A_463 = arith.constant 11648 : i32
    %add3A_464 = arith.addi %mul3A_2, %add3A_463 : i32
    %dma_start3A_465 = arith.constant 1 : i32
    %dma_start3A_466 = arith.constant 1 : i32
    %dma_start3A_467 = arith.constant 0 : i32
    %dma_start3A_468 = arith.constant 0 : i32
    %dma_start3A_469 = tpu.memref_slice %arg6[%dma_start3A_465, %dma_start3A_467, %dma_start3A_468] : memref<2x1664x32xf32, #tpu.memory_space<vmem>> -> memref<1x1664x32xf32, #tpu.memory_space<vmem>>
    %dma_start3A_470 = tpu.memref_squeeze %dma_start3A_469 : memref<1x1664x32xf32, #tpu.memory_space<vmem>> -> memref<1664x32xf32, #tpu.memory_space<vmem>>
    %dma_start3A_471 = arith.constant 0 : i32
    %dma_start3A_472 = tpu.memref_slice %arg4[%add3A_464, %dma_start3A_471] : memref<425984x32xf32, #tpu.memory_space<hbm>> -> memref<1664x32xf32, #tpu.memory_space<hbm>>
    %dma_start3A_473 = tpu.memref_slice %arg8[%dma_start3A_466] : memref<2x!tpu.dma_semaphore, #tpu.memory_space<semaphore_mem>> -> memref<1x!tpu.dma_semaphore, #tpu.memory_space<semaphore_mem>>
    %dma_start3A_474 = tpu.memref_squeeze %dma_start3A_473 : memref<1x!tpu.dma_semaphore, #tpu.memory_space<semaphore_mem>> -> memref<!tpu.dma_semaphore, #tpu.memory_space<semaphore_mem>>
    %dma_start3A_475 = arith.constant 0 : i32
    %dma_start3A_476 = tpu.memref_slice %arg4[%add3A_464, %dma_start3A_475] : memref<425984x32xf32, #tpu.memory_space<hbm>> -> memref<1664x32xf32, #tpu.memory_space<hbm>>
    %dma_start3A_477 = arith.constant 0 : i32
    %dma_start3A_478 = arith.constant 0 : i32
    %dma_start3A_479 = tpu.memref_slice %arg6[%dma_start3A_465, %dma_start3A_477, %dma_start3A_478] : memref<2x1664x32xf32, #tpu.memory_space<vmem>> -> memref<1x1664x32xf32, #tpu.memory_space<vmem>>
    %dma_start3A_480 = tpu.memref_squeeze %dma_start3A_479 : memref<1x1664x32xf32, #tpu.memory_space<vmem>> -> memref<1664x32xf32, #tpu.memory_space<vmem>>
    tpu.enqueue_dma source(%dma_start3A_480 : memref<1664x32xf32, #tpu.memory_space<vmem>>) target(%dma_start3A_476 : memref<1664x32xf32, #tpu.memory_space<hbm>>) target_semaphore(%dma_start3A_474 : memref<!tpu.dma_semaphore, #tpu.memory_space<semaphore_mem>>)
    %dma_wait3A_481 = arith.constant 0 : i32
    %dma_wait3A_482 = arith.constant 0 : i32
    %dma_wait3A_483 = arith.constant 0 : i32
    %dma_wait3A_484 = arith.constant 0 : i32
    %dma_wait3A_485 = tpu.memref_slice %arg6[%dma_wait3A_481, %dma_wait3A_483, %dma_wait3A_484] : memref<2x1664x32xf32, #tpu.memory_space<vmem>> -> memref<1x1664x32xf32, #tpu.memory_space<vmem>>
    %dma_wait3A_486 = tpu.memref_squeeze %dma_wait3A_485 : memref<1x1664x32xf32, #tpu.memory_space<vmem>> -> memref<1664x32xf32, #tpu.memory_space<vmem>>
    %dma_wait3A_487 = arith.constant 0 : i32
    %dma_wait3A_488 = tpu.memref_slice %arg4[%add3A_431, %dma_wait3A_487] : memref<425984x32xf32, #tpu.memory_space<hbm>> -> memref<1664x32xf32, #tpu.memory_space<hbm>>
    %dma_wait3A_489 = tpu.memref_slice %arg8[%dma_wait3A_482] : memref<2x!tpu.dma_semaphore, #tpu.memory_space<semaphore_mem>> -> memref<1x!tpu.dma_semaphore, #tpu.memory_space<semaphore_mem>>
    %dma_wait3A_490 = tpu.memref_squeeze %dma_wait3A_489 : memref<1x!tpu.dma_semaphore, #tpu.memory_space<semaphore_mem>> -> memref<!tpu.dma_semaphore, #tpu.memory_space<semaphore_mem>>
    %dma_wait3A_491 = arith.constant 0 : i32
    %dma_wait3A_492 = tpu.memref_slice %arg4[%add3A_431, %dma_wait3A_491] : memref<425984x32xf32, #tpu.memory_space<hbm>> -> memref<1664x32xf32, #tpu.memory_space<hbm>>
    %dma_wait3A_493 = arith.constant 0 : i32
    %dma_wait3A_494 = arith.constant 0 : i32
    %dma_wait3A_495 = tpu.memref_slice %arg6[%dma_wait3A_481, %dma_wait3A_493, %dma_wait3A_494] : memref<2x1664x32xf32, #tpu.memory_space<vmem>> -> memref<1x1664x32xf32, #tpu.memory_space<vmem>>
    %dma_wait3A_496 = tpu.memref_squeeze %dma_wait3A_495 : memref<1x1664x32xf32, #tpu.memory_space<vmem>> -> memref<1664x32xf32, #tpu.memory_space<vmem>>
    tpu.wait_dma2 semaphore(%dma_wait3A_490 : memref<!tpu.dma_semaphore, #tpu.memory_space<semaphore_mem>>) src(%dma_wait3A_496 : memref<1664x32xf32, #tpu.memory_space<vmem>>) dst(%dma_wait3A_492 : memref<1664x32xf32, #tpu.memory_space<hbm>>)
    %dma_wait3A_497 = arith.constant 1 : i32
    %dma_wait3A_498 = arith.constant 1 : i32
    %dma_wait3A_499 = arith.constant 0 : i32
    %dma_wait3A_500 = arith.constant 0 : i32
    %dma_wait3A_501 = tpu.memref_slice %arg6[%dma_wait3A_497, %dma_wait3A_499, %dma_wait3A_500] : memref<2x1664x32xf32, #tpu.memory_space<vmem>> -> memref<1x1664x32xf32, #tpu.memory_space<vmem>>
    %dma_wait3A_502 = tpu.memref_squeeze %dma_wait3A_501 : memref<1x1664x32xf32, #tpu.memory_space<vmem>> -> memref<1664x32xf32, #tpu.memory_space<vmem>>
    %dma_wait3A_503 = arith.constant 0 : i32
    %dma_wait3A_504 = tpu.memref_slice %arg4[%add3A_464, %dma_wait3A_503] : memref<425984x32xf32, #tpu.memory_space<hbm>> -> memref<1664x32xf32, #tpu.memory_space<hbm>>
    %dma_wait3A_505 = tpu.memref_slice %arg8[%dma_wait3A_498] : memref<2x!tpu.dma_semaphore, #tpu.memory_space<semaphore_mem>> -> memref<1x!tpu.dma_semaphore, #tpu.memory_space<semaphore_mem>>
    %dma_wait3A_506 = tpu.memref_squeeze %dma_wait3A_505 : memref<1x!tpu.dma_semaphore, #tpu.memory_space<semaphore_mem>> -> memref<!tpu.dma_semaphore, #tpu.memory_space<semaphore_mem>>
    %dma_wait3A_507 = arith.constant 0 : i32
    %dma_wait3A_508 = tpu.memref_slice %arg4[%add3A_464, %dma_wait3A_507] : memref<425984x32xf32, #tpu.memory_space<hbm>> -> memref<1664x32xf32, #tpu.memory_space<hbm>>
    %dma_wait3A_509 = arith.constant 0 : i32
    %dma_wait3A_510 = arith.constant 0 : i32
    %dma_wait3A_511 = tpu.memref_slice %arg6[%dma_wait3A_497, %dma_wait3A_509, %dma_wait3A_510] : memref<2x1664x32xf32, #tpu.memory_space<vmem>> -> memref<1x1664x32xf32, #tpu.memory_space<vmem>>
    %dma_wait3A_512 = tpu.memref_squeeze %dma_wait3A_511 : memref<1x1664x32xf32, #tpu.memory_space<vmem>> -> memref<1664x32xf32, #tpu.memory_space<vmem>>
    tpu.wait_dma2 semaphore(%dma_wait3A_506 : memref<!tpu.dma_semaphore, #tpu.memory_space<semaphore_mem>>) src(%dma_wait3A_512 : memref<1664x32xf32, #tpu.memory_space<vmem>>) dst(%dma_wait3A_508 : memref<1664x32xf32, #tpu.memory_space<hbm>>)
    return
  }
}

</mosaic_0001>

<sc_bundles>
// kernel: kernel.3.cloned.1.call-start
scs
__scs_entry_jumppad:
0x0: {  	(pc) =	sbr.rel $0x88, $3  }
0x1: {  	(tag) =	ssettag $0x0;
	lr =	simm.s32 $0x1  }
0x2: {  	[smem:$0x3F9F] =	sst lr;
	_ =	strace $0xD0000000  }
0x3: {  	_ = 	snop  }
0x4: {  	_ = 	snop  }
0x5: {  	_ = 	snop  }
0x6: {  	_ = 	snop  }
0x7: {  	_ = 	snop  }
__scs_overlays_trampoline_lowered:
0x8: {  	[smem:$0x3FAE] =	sst s0  }
0x9: {  	[smem:$0x3FAF] =	sst s1  }
0xa: {  	[smem:$0x3FB0] =	sst s2  }
0xb: {  	[smem:$0x3FB1] =	sst s3  }
0xc: {  	[smem:$0x3FB2] =	sst s4  }
0xd: {  	[smem:$0x3FB3] =	sst s5  }
0xe: {  	[smem:$0x3FB4] =	sst s6  }
0xf: {  	[smem:$0x3FB5] =	sst s7  }
0x10: {  	[smem:$0x3FB6] =	sst s8  }
0x11: {  	[smem:$0x3FB7] =	sst s9;
	s0 =	simm.s32 @!p0 $0x0  }
0x12: {  	s1 =	sld [smem:$0x3F9D];
	s0 =	simm.s32 @p0 $0x1  }
0x13: {  	[smem:$0x3FB8] =	sst s0;
	s0 =	simm.s32 @!p1 $0x0  }
0x14: {  	s2 =	sld [smem:$0x3F9C];
	s0 =	simm.s32 @p1 $0x1  }
0x15: {  	[smem:$0x3FB9] =	sst s0;
	s0 =	simm.s32 @!p2 $0x0  }
0x16: {  	s3 =	sld [smem:$0x3FDB];
	s0 =	simm.s32 @p2 $0x1  }
0x17: {  	s4 =	simm.s32 $0x1BF5;
	[smem:$0x3FBB] =	sst s0  }
0x18: {  	s0 =	sld [smem:$0x3F9E];
	_ =	swait.ge [sflag:s4], $0x0  }
0x19: {  	s7 =	sld [smem:$0x3F9F]  }
0x1a: {  	s8 =	sadd.s32 $0xFFFFE003, lr  }
0x1b: {  	s9 =	sadd.s32 $0xFFFFFEF7, lr;
	s5 =	simm.s32 $0xFFFFFFFF;
	p2 =	slt.u32 s8, $0xFFFFF086  }
0x1c: {  	p1 =	slt.u32 s9, $0xF7A;
	s5 =	simm.s32 @!p2 $0x0  }
0x1d: {  	s5 =	simm.s32 @p1 $0x1;
	p0 =	seq.s32 s7, s2  }
0x1e: {  	s7 =	smul.u32 @!p0 $0xF7A, s2;
	p2 =	seq.s32 @!p0 s5, $0x0  }
0x1f: {  	s9 =	smul.u32 $0xF7A, s1;
	s8 =	simm.s32 @!p0 $0x1BF5;
	p2 =	por !p2, p0  }
0x20: {  	[sflag:s8] =	ssyncset.s32 @!p0 $0xFFFFF086;
	s6 =	sadd.s32 @!p0 s3, s7;
	s7 =	simm.s32 @!p0 $0x108  }
0x21: {  	s3 =	sadd.s32 s3, s9;
	s6 =	sadd.s32 @!p0 $0x88, s6;
	s7 =	simm.s32 @p2 $0x1082  }
0x22: {  	[simem:s7], [sflag:s8] =	dma.local @!p0 [hbm:s6], $0xF7A  }
0x23: {  	s9 =	sor.u32 $0xD0000000, s2;
	s6 =	simm.s32 $0x108;
	_ =	swait.ge @!p0 [sflag:s8], $0x0  }
0x24: {  	s3 =	sadd.s32 $0x88, s3;
	s6 =	simm.s32 @!p1 $0x1082;
	[sflag:s4] =	ssyncset.s32 $0xFFFFF086  }
0x25: {  	[simem:s6], [sflag:s4] =	dma.local [hbm:s3], $0xF7A  }
0x26: {  	[smem:$0x3F9F] =	sst s1;
	(tag) =	ssettag s2;
	_ =	strace s9  }
0x27: {  	s1 =	sld [smem:$0x3FAF]  }
0x28: {  	s2 =	sld [smem:$0x3FB0]  }
0x29: {  	s4 =	sld [smem:$0x3FB2]  }
0x2a: {  	p0 =	seq.s32 s5, $0x0;
	s5 =	sld [smem:$0x3FB3]  }
0x2b: {  	s6 =	sld [smem:$0x3FB4]  }
0x2c: {  	s7 =	sld [smem:$0x3FB5]  }
0x2d: {  	s3 =	simm.s32 $0x108;
	s8 =	sld [smem:$0x3FB6]  }
0x2e: {  	s3 =	simm.s32 @!p0 $0x1082;
	s9 =	sld [smem:$0x3FB7]  }
0x2f: {  	lr =	sadd.s32 s0, s3;
	s0 =	sld [smem:$0x3FAE]  }
0x30: {  	s3 =	sld [smem:$0x3FB1]  }
0x31: {  	[smem:$0x3FBA] =	sst s10  }
0x32: {  	s10 =	sld [smem:$0x3FB8];
	_ =	sdelay $0x3  }
0x33: {  	p0 =	seq.s32 s10, $0x1;
	s10 =	sld [smem:$0x3FBA];
	_ =	sdelay $0x3  }
0x34: {  	[smem:$0x3FBA] =	sst s10  }
0x35: {  	s10 =	sld [smem:$0x3FB9];
	_ =	sdelay $0x3  }
0x36: {  	p1 =	seq.s32 s10, $0x1;
	s10 =	sld [smem:$0x3FBA];
	_ =	sdelay $0x3  }
0x37: {  	[smem:$0x3FBA] =	sst s10  }
0x38: {  	s10 =	sld [smem:$0x3FBB]  }
0x39: {  	_ = 	snop;
	(pc) =	sbr.ind lr, $3  }
0x3a: {  	_ = 	snop  }
0x3b: {  	_ = 	snop  }
0x3c: {  	p2 =	seq.s32 s10, $0x1;
	s10 =	sld [smem:$0x3FBA]  }
0x3d: {  	_ =	shalt  }
0x3e: {  	_ =	shalt  }
0x3f: {  	_ =	shalt  }
0x40: {  	_ =	shalt  }
0x41: {  	_ =	shalt  }
0x42: {  	_ =	shalt  }
0x43: {  	_ =	shalt  }
0x44: {  	_ =	shalt  }
0x45: {  	_ =	shalt  }
0x46: {  	_ =	shalt  }
0x47: {  	_ =	shalt  }
0x48: {  	_ =	shalt  }
0x49: {  	_ =	shalt  }
0x4a: {  	_ =	shalt  }
0x4b: {  	_ =	shalt  }
0x4c: {  	_ =	shalt  }
0x4d: {  	_ =	shalt  }
0x4e: {  	_ =	shalt  }
0x4f: {  	_ =	shalt  }
0x50: {  	_ =	shalt  }
0x51: {  	_ =	shalt  }
0x52: {  	_ =	shalt  }
0x53: {  	_ =	shalt  }
0x54: {  	_ =	shalt  }
0x55: {  	_ =	shalt  }
0x56: {  	_ =	shalt  }
0x57: {  	_ =	shalt  }
0x58: {  	_ =	shalt  }
0x59: {  	_ =	shalt  }
0x5a: {  	_ =	shalt  }
0x5b: {  	_ =	shalt  }
0x5c: {  	_ =	shalt  }
0x5d: {  	_ =	shalt  }
0x5e: {  	_ =	shalt  }
0x5f: {  	_ =	shalt  }
0x60: {  	_ =	shalt  }
0x61: {  	_ =	shalt  }
0x62: {  	_ =	shalt  }
0x63: {  	_ =	shalt  }
0x64: {  	_ =	shalt  }
0x65: {  	_ =	shalt  }
0x66: {  	_ =	shalt  }
0x67: {  	_ =	shalt  }
0x68: {  	_ =	shalt  }
0x69: {  	_ =	shalt  }
0x6a: {  	_ =	shalt  }
0x6b: {  	_ =	shalt  }
0x6c: {  	_ =	shalt  }
0x6d: {  	_ =	shalt  }
0x6e: {  	_ =	shalt  }
0x6f: {  	_ =	shalt  }
0x70: {  	_ =	shalt  }
0x71: {  	_ =	shalt  }
0x72: {  	_ =	shalt  }
0x73: {  	_ =	shalt  }
0x74: {  	_ =	shalt  }
0x75: {  	_ =	shalt  }
0x76: {  	_ =	shalt  }
0x77: {  	_ =	shalt  }
0x78: {  	_ =	shalt  }
0x79: {  	_ =	shalt  }
0x7a: {  	_ =	shalt  }
0x7b: {  	_ =	shalt  }
0x7c: {  	_ =	shalt  }
0x7d: {  	_ =	shalt  }
0x7e: {  	_ =	shalt  }
0x7f: {  	_ =	shalt  }
0x80: {  	_ =	shalt  }
0x81: {  	_ =	shalt  }
0x82: {  	_ =	shalt  }
0x83: {  	_ =	shalt  }
0x84: {  	_ =	shalt  }
0x85: {  	_ =	shalt  }
0x86: {  	_ =	shalt  }
0x87: {  	_ =	shalt  }
.Lfunc_end0:
.L_simem_size_0:
called_computation.1_lowered:
.L_overlay_start_0:
0x88: {  	s2 =	sld [smem:$0x3FD9]  }
0x89: {  	s3 =	sld [smem:$0x3FFE];
	_ =	sdelay $0x1  }
0x8a: {  	s1 =	srdreg.scid  }
0x8b: {  	s0 =	sand.u32 $0x1, s1  }
0x8c: {  	s17 =	sshll.u32 s0, $0xA;
	s2 =	sadd.s32 s3, s2  }
0x8d: {  	s2 =	sadd.s32 s2, s17  }
0x8e: {  	[smem:$0x3FC6] =	sst s2  }
0x8f: {  	_ = 	snop  }
0x90: {  	s2 =	sld [smem:$0x3FD0];
	(tm) =	ssettm $0x1  }
0x91: {  	s18 =	sld [smem:$0x3FFB];
	_ =	sdelay $0x3  }
0x92: {  	_ =	strace s18  }
0x93: {  	s3 =	sld [smem:$0x3FFC];
	_ =	sdelay $0x3  }
0x94: {  	_ =	strace s3  }
0x95: {  	s3 =	sld [smem:$0x3FFD];
	_ =	sdelay $0x3  }
0x96: {  	_ =	strace s3  }
0x97: {  	_ =	strace $0x8FFFFFFF  }
0x98: {  	s19 =	sld [smem:$0x3FDB];
	_ =	sdelay $0x1  }
0x99: {  	s4 =	simm.s32 $_scs_section_size  }
0x9a: {  	s5 =	simm.s32 $_size__tile_overlayer_lowered;
	s6 =	simm.s32 $_tile_overlayer_lowered  }
0x9b: {  	s22 =	simm.s32 $0x1BFF;
	s21 =	sshll.u32 s6, $0x1;
	s3 =	sadd.s32 s4, s19  }
0x9c: {  	s7 =	simm.s32 $0x0;
	s20 =	sshll.u32 s5, $0x1;
	s5 =	sadd.s32 s21, s3  }
0x9d: {  	[timem:s7], [sflag:s22] =	dma.local [hbm:s5], s20  }
0x9e: {  	_ =	swait.ge [sflag:s22], s20  }
0x9f: {  	s4 =	ssub.s32 $0x0, s20;
	[sflag:s22] =	ssyncset.done $0x0  }
0xa0: {  	[sflag:s22] =	ssyncadd.s32 s4;
	_ =	sdelay $0x1  }
0xa1: {  	s23 =	simm.s32 $0x1B8B  }
0xa2: {  	_ =	swait.ge [sflag:s23], $0x1  }
0xa3: {  	[sflag:s23] =	ssyncset.done $0x0  }
0xa4: {  	s25 =	simm.s32 $0x1B8E;
	s24 =	sld [smem:$0x3FFE];
	[sflag:s23] =	ssyncadd.s32 $0xFFFFFFFF  }
0xa5: {  	s26 =	simm.s32 $execute0_lowered;
	[smem:$0x3FD2] =	sst s25  }
0xa6: {  	s5 =	sshll.u32 s26, $0x1;
	_ =	strace $0x80000046;
	[dreg:$0x1] =	wrdreg $0xFFFFFFFF  }
0xa7: {  	s28 =	simm.s32 $_size_execute0_lowered;
	s3 =	sadd.s32 s3, s5;
	[dreg:$0x0] =	wrdreg $0x0  }
0xa8: {  	s5 =	sshll.u32 s28, $0x1;
	[dreg:$0x2] =	wrdreg s3  }
0xa9: {  	[dreg:$0x3] =	wrdreg s5  }
0xaa: {  	[dreg:$0x4] =	wrdreg $0xC0  }
0xab: {  	_ =	task [dreg:s7], $0x5FFFF  }
0xac: {  	[dreg:$0x1] =	wrdreg $0xFFFFFFFF  }
0xad: {  	[dreg:$0x0] =	wrdreg $0x60  }
0xae: {  	[dreg:$0x2] =	wrdreg s24  }
0xaf: {  	[dreg:$0x3] =	wrdreg s2  }
0xb0: {  	[dreg:$0x4] =	wrdreg $0x9  }
0xb1: {  	_ =	task.clear_ibuf [dreg:s7], $0x5FFFF;
	_ =	strace $0x90000046  }
0xb2: {  	s29 =	simm.s32 $0x9;
	_ =	strace $0x80000048  }
0xb3: {  	_ =	swait.ge [sflag:s29], $0x1  }
0xb4: {  	[sflag:s29] =	ssyncadd.s32 $0xFFFFFFFF  }
0xb5: {  	_ =	strace $0x90000048  }
0xb6: {  	_ =	sfence  }
0xb7: {  	s30 =	sld [smem:$0x0];
	_ =	sdelay $0x2  }
0xb8: {  	s31 =	sshll.u32 s1, $0xD;
	s1 =	sshrl.u32 s1, $0x2  }
0xb9: {  	s3 =	sand.u32 $0x4000, s31;
	s1 =	sadd.s32 s1, s30  }
0xba: {  	s0 =	sor.u32 s3, s0;
	s1 =	sshll.u32 s1, $0x11  }
0xbb: {  	s0 =	sor.u32 s1, s0  }
0xbc: {  	s0 =	sadd.s32 $0x8F2B, s0  }
0xbd: {  	[sflag:s0] =	ssyncadd.remote.s32 $0x1  }
0xbe: {  	_ =	sfence.sel $0xFFFF  }
0xbf: {  	[dreg:$0x0] =	wrdreg $0xFFFFFFFF;
	(pc) =	sbr.abs _section_cstart, $3  }
0xc0: {  	[dreg:$0x1] =	wrdreg $0xFFFFFFFF  }
0xc1: {  	_ =	task.clear_ibuf [dreg:s7], $0x2FFFF;
	_ =	strace $0x9FFFFFFF  }
0xc2: {  	(tm) =	ssettm $0x7FFFFFFF  }
0xc3: {  	_ =	shalt  }
tec
execute0_lowered:
.L_overlay_start_1:
0x0: {  	(tag) =	ssettag $0x1  }
0x1: {  	s1 =	srdreg.scid;
	s0 =	stileid.u32  }
0x2: {  	s26 =	sand.u32 $0x1, s1;
	s31 =	sshll.u32 s0, $0x1  }
0x3: {  	s12 =	sor.u32 s26, s31  }
0x4: {  	s5 =	rddreg [dreg:$0x0];
	s3 =	smul.u32 $0x680, s12  }
0x5: {  	s14 =	rddreg [dreg:$0x1];
	s2 =	simm.s32 $0x0  }
0x6: {  	s4 =	simm.s32 $0x5;
	[smem:$0x7FF] =	sst s2;
	s3 =	sadd.s32 s3, s5  }
0x7: {  	s1 =	rddreg [dreg:$0x2];
	_ =	strace $0x80000047;
	s3 =	sadd.s32 $0xA00, s3  }
0x8: {  	[tilespmem:s2], [sflag:$0x5] =	stream.linear.gather [hbm4b:s3+s2], $0x3400, $0x38;
	[tilespmem:$0x1D400] =	vst v63  }
0x9: {  	_ =	swait.ge [sflag:s4], $0x3400  }
0xa: {  	s6 =	simm.s32 $0x680;
	[sflag:s4] =	ssyncset.done $0x0  }
0xb: {  	s7 =	simm.s32 $0x3400;
	s5 =	sadd.s32 $0xF42E00, s5;
	[sflag:s4] =	ssyncadd.s32 $0xFFFFCC00  }
0xc: {  	[tilespmem:s7], [sflag:$0x1] =	stream.indirect.gather [hbm4b:s5+s6], $0x20, s2, s6, $0xb8;
	[tilespmem:$0x1D400] =	vst v63  }
0xd: {  	s8 =	simm.s32 $0x10400;
	s9 =	simm.s32 $0x1  }
0xe: {  	[tilespmem:s8], [sflag:$0x2] =	stream.indirect.gather [hbm4b:s5+s6], $0x20, s6, s6, $0xb8;
	[tilespmem:$0x1D400] =	vst v63  }
0xf: {  	s10 =	smul.u32 $0xD000, s12;
	_ =	swait.ge [sflag:s9], $0xD000  }
0x10: {  	[sflag:s9] =	ssyncset.done $0x0  }
0x11: {  	s11 =	simm.s32 $0x3;
	s10 =	sadd.s32 s14, s10;
	[sflag:s9] =	ssyncadd.s32 $0xFFFF3000  }
0x12: {  	[hbm4b:s10+s2] =	stream.linear.scatter [tilespmem:s7], [sflag:$0x3], $0xD000, $0x38;
	[tilespmem:$0x1D400] =	vst v63  }
0x13: {  	_ =	swait.ge [sflag:s11], $0xD000  }
0x14: {  	s13 =	simm.s32 $0x2;
	[sflag:s11] =	ssyncset.done $0x0  }
0x15: {  	s15 =	smul.u32 $0x68000, s12;
	s12 =	simm.s32 $0xD00;
	[sflag:s11] =	ssyncadd.s32 $0xFFFF3000  }
0x16: {  	[tilespmem:s7], [sflag:$0x1] =	stream.indirect.gather [hbm4b:s5+s6], $0x20, s12, s6, $0xb8;
	[tilespmem:$0x1D400] =	vst v63  }
0x17: {  	s15 =	sshrl.u32 s15, $0x3;
	_ =	swait.ge [sflag:s13], $0xD000  }
0x18: {  	s28 =	sadd.s32 s14, s15;
	[sflag:s13] =	ssyncset.done $0x0  }
0x19: {  	s14 =	simm.s32 $0x4;
	s15 =	sadd.s32 $0x1A00, s28;
	[sflag:s13] =	ssyncadd.s32 $0xFFFF3000  }
0x1a: {  	[hbm4b:s15+s2] =	stream.linear.scatter [tilespmem:s8], [sflag:$0x4], $0xD000, $0x38;
	[tilespmem:$0x1D400] =	vst v63  }
0x1b: {  	_ =	swait.ge [sflag:s14], $0xD000  }
0x1c: {  	[sflag:s14] =	ssyncset.done $0x0  }
0x1d: {  	s16 =	simm.s32 $0x1380;
	[sflag:s14] =	ssyncadd.s32 $0xFFFF3000  }
0x1e: {  	[tilespmem:s8], [sflag:$0x2] =	stream.indirect.gather [hbm4b:s5+s6], $0x20, s16, s6, $0xb8;
	[tilespmem:$0x1D400] =	vst v63  }
0x1f: {  	_ =	swait.ge [sflag:s9], $0xD000  }
0x20: {  	[sflag:s9] =	ssyncset.done $0x0  }
0x21: {  	s17 =	sadd.s32 $0x3400, s28;
	[sflag:s9] =	ssyncadd.s32 $0xFFFF3000  }
0x22: {  	[hbm4b:s17+s2] =	stream.linear.scatter [tilespmem:s7], [sflag:$0x3], $0xD000, $0x38;
	[tilespmem:$0x1D400] =	vst v63  }
0x23: {  	_ =	swait.ge [sflag:s11], $0xD000  }
0x24: {  	[sflag:s11] =	ssyncset.done $0x0  }
0x25: {  	s18 =	simm.s32 $0x1A00;
	[sflag:s11] =	ssyncadd.s32 $0xFFFF3000  }
0x26: {  	[tilespmem:s7], [sflag:$0x1] =	stream.indirect.gather [hbm4b:s5+s6], $0x20, s18, s6, $0xb8;
	[tilespmem:$0x1D400] =	vst v63  }
0x27: {  	_ =	swait.ge [sflag:s13], $0xD000  }
0x28: {  	[sflag:s13] =	ssyncset.done $0x0  }
0x29: {  	s19 =	sadd.s32 $0x4E00, s28;
	[sflag:s13] =	ssyncadd.s32 $0xFFFF3000  }
0x2a: {  	[hbm4b:s19+s2] =	stream.linear.scatter [tilespmem:s8], [sflag:$0x4], $0xD000, $0x38;
	[tilespmem:$0x1D400] =	vst v63  }
0x2b: {  	_ =	swait.ge [sflag:s14], $0xD000  }
0x2c: {  	[sflag:s14] =	ssyncset.done $0x0  }
0x2d: {  	s20 =	simm.s32 $0x2080;
	[sflag:s14] =	ssyncadd.s32 $0xFFFF3000  }
0x2e: {  	[tilespmem:s8], [sflag:$0x2] =	stream.indirect.gather [hbm4b:s5+s6], $0x20, s20, s6, $0xb8;
	[tilespmem:$0x1D400] =	vst v63  }
0x2f: {  	_ =	swait.ge [sflag:s9], $0xD000  }
0x30: {  	[sflag:s9] =	ssyncset.done $0x0  }
0x31: {  	s21 =	sadd.s32 $0x6800, s28;
	[sflag:s9] =	ssyncadd.s32 $0xFFFF3000  }
0x32: {  	[hbm4b:s21+s2] =	stream.linear.scatter [tilespmem:s7], [sflag:$0x3], $0xD000, $0x38;
	[tilespmem:$0x1D400] =	vst v63  }
0x33: {  	_ =	swait.ge [sflag:s11], $0xD000  }
0x34: {  	[sflag:s11] =	ssyncset.done $0x0  }
0x35: {  	s22 =	simm.s32 $0x2700;
	[sflag:s11] =	ssyncadd.s32 $0xFFFF3000  }
0x36: {  	[tilespmem:s7], [sflag:$0x1] =	stream.indirect.gather [hbm4b:s5+s6], $0x20, s22, s6, $0xb8;
	[tilespmem:$0x1D400] =	vst v63  }
0x37: {  	_ =	swait.ge [sflag:s13], $0xD000  }
0x38: {  	[sflag:s13] =	ssyncset.done $0x0  }
0x39: {  	s23 =	sadd.s32 $0x8200, s28;
	[sflag:s13] =	ssyncadd.s32 $0xFFFF3000  }
0x3a: {  	[hbm4b:s23+s2] =	stream.linear.scatter [tilespmem:s8], [sflag:$0x4], $0xD000, $0x38;
	[tilespmem:$0x1D400] =	vst v63  }
0x3b: {  	_ =	swait.ge [sflag:s14], $0xD000  }
0x3c: {  	[sflag:s14] =	ssyncset.done $0x0  }
0x3d: {  	s24 =	simm.s32 $0x2D80;
	[sflag:s14] =	ssyncadd.s32 $0xFFFF3000  }
0x3e: {  	[tilespmem:s8], [sflag:$0x2] =	stream.indirect.gather [hbm4b:s5+s6], $0x20, s24, s6, $0xb8;
	[tilespmem:$0x1D400] =	vst v63  }
0x3f: {  	_ =	swait.ge [sflag:s9], $0xD000  }
0x40: {  	s29 =	ssub.s32 $0x2, s26;
	s25 =	sadd.s32 $0x9C00, s28;
	[sflag:s9] =	ssyncset.done $0x0  }
0x41: {  	s26 =	sadd.s32 $0xB600, s28;
	s28 =	sshrl.u32 s29, $0x1;
	[sflag:s9] =	ssyncadd.s32 $0xFFFF3000  }
0x42: {  	[hbm4b:s25+s2] =	stream.linear.scatter [tilespmem:s7], [sflag:$0x3], $0xD000, $0x38;
	[tilespmem:$0x1D400] =	vst v63  }
0x43: {  	s28 =	ssub.s32 s29, s28;
	_ =	swait.ge [sflag:s13], $0xD000  }
0x44: {  	s28 =	smax.u32 s28, $0x1;
	[sflag:s13] =	ssyncset.done $0x0  }
0x45: {  	p0 =	sne.s32 s28, $0x1;
	[sflag:s13] =	ssyncadd.s32 $0xFFFF3000  }
0x46: {  	[hbm4b:s26+s2] =	stream.linear.scatter [tilespmem:s8], [sflag:$0x4], $0xD000, $0x38;
	[tilespmem:$0x1D400] =	vst v63  }
.Ltmp0:
0x47: {  	_ =	swait.ge [sflag:s11], $0xD000;
	(pc) =	sbr.rel @!p0 .LBB2_2-.Ltmp0, $4  }
0x48: {  	[sflag:s11] =	ssyncset.done $0x0  }
0x49: {  	[sflag:s11] =	ssyncadd.s32 $0xFFFF3000  }
0x4a: {  	_ =	swait.ge [sflag:s14], $0xD000  }
0x4b: {  	s28 =	sadd.s32 $0xFFFFFFFF, s28;
	[sflag:s14] =	ssyncset.done $0x0  }
.LBB2_1:
0x4c: {  	p0 =	sne.s32 s28, $0x1;
	s28 =	sadd.s32 $0xFFFFFFFF, s28;
	[sflag:s14] =	ssyncadd.s32 $0xFFFF3000  }
0x4d: {  	[tilespmem:s2], [sflag:$0x5] =	stream.linear.gather [hbm4b:s3+s2], $0x3400, $0x38;
	[tilespmem:$0x1D400] =	vst v63  }
0x4e: {  	_ =	swait.ge [sflag:s4], $0x3400  }
0x4f: {  	[sflag:s4] =	ssyncset.done $0x0  }
0x50: {  	[sflag:s4] =	ssyncadd.s32 $0xFFFFCC00  }
0x51: {  	[tilespmem:s7], [sflag:$0x1] =	stream.indirect.gather [hbm4b:s5+s6], $0x20, s2, s6, $0xb8;
	[tilespmem:$0x1D400] =	vst v63  }
0x52: {  	_ = 	snop  }
0x53: {  	[tilespmem:s8], [sflag:$0x2] =	stream.indirect.gather [hbm4b:s5+s6], $0x20, s6, s6, $0xb8;
	[tilespmem:$0x1D400] =	vst v63  }
0x54: {  	_ =	swait.ge [sflag:s9], $0xD000  }
0x55: {  	[sflag:s9] =	ssyncset.done $0x0  }
0x56: {  	[sflag:s9] =	ssyncadd.s32 $0xFFFF3000  }
0x57: {  	[hbm4b:s10+s2] =	stream.linear.scatter [tilespmem:s7], [sflag:$0x3], $0xD000, $0x38;
	[tilespmem:$0x1D400] =	vst v63  }
0x58: {  	_ =	swait.ge [sflag:s11], $0xD000  }
0x59: {  	[sflag:s11] =	ssyncset.done $0x0  }
0x5a: {  	[sflag:s11] =	ssyncadd.s32 $0xFFFF3000  }
0x5b: {  	[tilespmem:s7], [sflag:$0x1] =	stream.indirect.gather [hbm4b:s5+s6], $0x20, s12, s6, $0xb8;
	[tilespmem:$0x1D400] =	vst v63  }
0x5c: {  	_ =	swait.ge [sflag:s13], $0xD000  }
0x5d: {  	[sflag:s13] =	ssyncset.done $0x0  }
0x5e: {  	[sflag:s13] =	ssyncadd.s32 $0xFFFF3000  }
0x5f: {  	[hbm4b:s15+s2] =	stream.linear.scatter [tilespmem:s8], [sflag:$0x4], $0xD000, $0x38;
	[tilespmem:$0x1D400] =	vst v63  }
0x60: {  	_ =	swait.ge [sflag:s14], $0xD000  }
0x61: {  	[sflag:s14] =	ssyncset.done $0x0  }
0x62: {  	[sflag:s14] =	ssyncadd.s32 $0xFFFF3000  }
0x63: {  	[tilespmem:s8], [sflag:$0x2] =	stream.indirect.gather [hbm4b:s5+s6], $0x20, s16, s6, $0xb8;
	[tilespmem:$0x1D400] =	vst v63  }
0x64: {  	_ =	swait.ge [sflag:s9], $0xD000  }
0x65: {  	[sflag:s9] =	ssyncset.done $0x0  }
0x66: {  	[sflag:s9] =	ssyncadd.s32 $0xFFFF3000  }
0x67: {  	[hbm4b:s17+s2] =	stream.linear.scatter [tilespmem:s7], [sflag:$0x3], $0xD000, $0x38;
	[tilespmem:$0x1D400] =	vst v63  }
0x68: {  	_ =	swait.ge [sflag:s11], $0xD000  }
0x69: {  	[sflag:s11] =	ssyncset.done $0x0  }
0x6a: {  	[sflag:s11] =	ssyncadd.s32 $0xFFFF3000  }
0x6b: {  	[tilespmem:s7], [sflag:$0x1] =	stream.indirect.gather [hbm4b:s5+s6], $0x20, s18, s6, $0xb8;
	[tilespmem:$0x1D400] =	vst v63  }
0x6c: {  	_ =	swait.ge [sflag:s13], $0xD000  }
0x6d: {  	[sflag:s13] =	ssyncset.done $0x0  }
0x6e: {  	[sflag:s13] =	ssyncadd.s32 $0xFFFF3000  }
0x6f: {  	[hbm4b:s19+s2] =	stream.linear.scatter [tilespmem:s8], [sflag:$0x4], $0xD000, $0x38;
	[tilespmem:$0x1D400] =	vst v63  }
0x70: {  	_ =	swait.ge [sflag:s14], $0xD000  }
0x71: {  	[sflag:s14] =	ssyncset.done $0x0  }
0x72: {  	[sflag:s14] =	ssyncadd.s32 $0xFFFF3000  }
0x73: {  	[tilespmem:s8], [sflag:$0x2] =	stream.indirect.gather [hbm4b:s5+s6], $0x20, s20, s6, $0xb8;
	[tilespmem:$0x1D400] =	vst v63  }
0x74: {  	_ =	swait.ge [sflag:s9], $0xD000  }
0x75: {  	[sflag:s9] =	ssyncset.done $0x0  }
0x76: {  	[sflag:s9] =	ssyncadd.s32 $0xFFFF3000  }
0x77: {  	[hbm4b:s21+s2] =	stream.linear.scatter [tilespmem:s7], [sflag:$0x3], $0xD000, $0x38;
	[tilespmem:$0x1D400] =	vst v63  }
0x78: {  	_ =	swait.ge [sflag:s11], $0xD000  }
0x79: {  	[sflag:s11] =	ssyncset.done $0x0  }
0x7a: {  	[sflag:s11] =	ssyncadd.s32 $0xFFFF3000  }
0x7b: {  	[tilespmem:s7], [sflag:$0x1] =	stream.indirect.gather [hbm4b:s5+s6], $0x20, s22, s6, $0xb8;
	[tilespmem:$0x1D400] =	vst v63  }
0x7c: {  	_ =	swait.ge [sflag:s13], $0xD000  }
0x7d: {  	[sflag:s13] =	ssyncset.done $0x0  }
0x7e: {  	[sflag:s13] =	ssyncadd.s32 $0xFFFF3000  }
0x7f: {  	[hbm4b:s23+s2] =	stream.linear.scatter [tilespmem:s8], [sflag:$0x4], $0xD000, $0x38;
	[tilespmem:$0x1D400] =	vst v63  }
0x80: {  	_ =	swait.ge [sflag:s14], $0xD000  }
0x81: {  	[sflag:s14] =	ssyncset.done $0x0  }
0x82: {  	[sflag:s14] =	ssyncadd.s32 $0xFFFF3000  }
0x83: {  	[tilespmem:s8], [sflag:$0x2] =	stream.indirect.gather [hbm4b:s5+s6], $0x20, s24, s6, $0xb8;
	[tilespmem:$0x1D400] =	vst v63  }
0x84: {  	_ =	swait.ge [sflag:s9], $0xD000  }
0x85: {  	[sflag:s9] =	ssyncset.done $0x0  }
0x86: {  	[sflag:s9] =	ssyncadd.s32 $0xFFFF3000  }
0x87: {  	[hbm4b:s25+s2] =	stream.linear.scatter [tilespmem:s7], [sflag:$0x3], $0xD000, $0x38;
	[tilespmem:$0x1D400] =	vst v63  }
0x88: {  	_ =	swait.ge [sflag:s13], $0xD000  }
0x89: {  	[sflag:s13] =	ssyncset.done $0x0  }
0x8a: {  	[sflag:s13] =	ssyncadd.s32 $0xFFFF3000  }
0x8b: {  	[hbm4b:s26+s2] =	stream.linear.scatter [tilespmem:s8], [sflag:$0x4], $0xD000, $0x38;
	[tilespmem:$0x1D400] =	vst v63  }
.Ltmp1:
0x8c: {  	_ =	swait.ge [sflag:s11], $0xD000;
	(pc) =	sbr.rel @p0 .LBB2_1-.Ltmp1, $4  }
0x8d: {  	[sflag:s11] =	ssyncset.done $0x0  }
0x8e: {  	[sflag:s11] =	ssyncadd.s32 $0xFFFF3000  }
0x8f: {  	_ =	swait.ge [sflag:s14], $0xD000  }
0x90: {  	[sflag:s14] =	ssyncset.done $0x0  }
.LBB2_2:
0x91: {  	[sflag:s14] =	ssyncadd.s32 $0xFFFF3000  }
0x92: {  	_ =	sfence.sel $0x180000  }
0x93: {  	[bflag:$0x0] =	sbarrier.arrive $0xFFFF  }
0x94: {  	p0 =	sne.s32 s0, $0x0;
	_ =	strace $0x90000047  }
0x95: {  	s0 =	sadd.s32 @!p0 $0x100000, s1;
	[bflag:$0x2] =	sbarrier.arrive $0xFFFF  }
0x96: {  	[sflag:s0] =	ssyncadd.tile.s32 @!p0 $0x1;
	_ =	shalt  }
.Lfunc_end2:
_tile_overlayer_lowered:
.L_overlay_start_2:
0x97: {  	(tag) =	ssettag $0x2  }
0x98: {  	s0 =	rddreg [dreg:$0x0];
	s2 =	stileid.u32  }
0x99: {  	s1 =	rddreg [dreg:$0x1];
	p0 =	sne.s32 s2, $0x0  }
0x9a: {  	s3 =	rddreg [dreg:$0x2];
	[bflag:$0x3] =	sbarrier.arrive $0xFFFF;
	s2 =	simm.s32 @!p0 $0x1C05  }
0x9b: {  	[timem:s3], [sflag:s2] =	dma.local @!p0 [hbm:s0], s1  }
0x9c: {  	s0 =	simm.s32 @!p0 $0x5  }
0x9d: {  	_ =	swait.ge @!p0 [sflag:s0], s1  }
0x9e: {  	s1 =	ssub.s32 @!p0 $0x0, s1;
	[sflag:s0] =	ssyncset.done @!p0 $0x0  }
0x9f: {  	[sflag:s0] =	ssyncadd.s32 @!p0 s1  }
0xa0: {  	[bflag:$0x3] =	sbarrier.arrive $0xFFFF  }
0xa1: {  	_ =	shalt  }

// kernel: sparse-core-data-format-call.cloned.1.call-start
scs
called_computation_lowered:
.L_overlay_start_0:
0x0: {  	s2 =	sld [smem:$0x3FD9]  }
0x1: {  	s3 =	sld [smem:$0x3FFE];
	_ =	sdelay $0x1  }
0x2: {  	s1 =	srdreg.scid  }
0x3: {  	s0 =	sand.u32 $0x1, s1  }
0x4: {  	s18 =	sshll.u32 s0, $0xA;
	s2 =	sadd.s32 s3, s2  }
0x5: {  	s2 =	sadd.s32 s2, s18  }
0x6: {  	[smem:$0x3FC6] =	sst s2  }
0x7: {  	_ = 	snop  }
0x8: {  	s2 =	sld [smem:$0x3FD0];
	(tm) =	ssettm $0x1  }
0x9: {  	s19 =	sld [smem:$0x3FFB];
	_ =	sdelay $0x3  }
0xa: {  	_ =	strace s19  }
0xb: {  	s3 =	sld [smem:$0x3FFC];
	_ =	sdelay $0x3  }
0xc: {  	_ =	strace s3  }
0xd: {  	s3 =	sld [smem:$0x3FFD];
	_ =	sdelay $0x3  }
0xe: {  	_ =	strace s3  }
0xf: {  	_ =	strace $0x8FFFFFFF  }
0x10: {  	s20 =	sld [smem:$0x3FDB];
	_ =	sdelay $0x1  }
0x11: {  	s4 =	simm.s32 $_scs_section_size  }
0x12: {  	s5 =	simm.s32 $_size__tile_overlayer_lowered;
	s6 =	simm.s32 $_tile_overlayer_lowered  }
0x13: {  	s23 =	simm.s32 $0x1BFF;
	s22 =	sshll.u32 s6, $0x1;
	s3 =	sadd.s32 s4, s20  }
0x14: {  	s7 =	simm.s32 $0x0;
	s21 =	sshll.u32 s5, $0x1;
	s5 =	sadd.s32 s22, s3  }
0x15: {  	[timem:s7], [sflag:s23] =	dma.local [hbm:s5], s21  }
0x16: {  	_ =	swait.ge [sflag:s23], s21  }
0x17: {  	s4 =	ssub.s32 $0x0, s21;
	[sflag:s23] =	ssyncset.done $0x0  }
0x18: {  	[sflag:s23] =	ssyncadd.s32 s4;
	_ =	sdelay $0x1  }
0x19: {  	s24 =	simm.s32 $0x1B8B  }
0x1a: {  	_ =	swait.ge [sflag:s24], $0x1  }
0x1b: {  	[sflag:s24] =	ssyncset.done $0x0  }
0x1c: {  	s26 =	simm.s32 $0x1B8E;
	s25 =	sld [smem:$0x3FFE];
	[sflag:s24] =	ssyncadd.s32 $0xFFFFFFFF  }
0x1d: {  	s27 =	simm.s32 $execute0_lowered;
	[smem:$0x3FD2] =	sst s26  }
0x1e: {  	s5 =	sshll.u32 s27, $0x1;
	_ =	strace $0x80000049;
	[dreg:$0x1] =	wrdreg $0xFFFFFFFF  }
0x1f: {  	s28 =	simm.s32 $_size_execute0_lowered;
	s3 =	sadd.s32 s3, s5;
	[dreg:$0x0] =	wrdreg $0x0  }
0x20: {  	s5 =	sshll.u32 s28, $0x1;
	[dreg:$0x2] =	wrdreg s3  }
0x21: {  	[dreg:$0x3] =	wrdreg s5  }
0x22: {  	[dreg:$0x4] =	wrdreg $0xC0  }
0x23: {  	_ =	task [dreg:s7], $0x5FFFF  }
0x24: {  	[dreg:$0x1] =	wrdreg $0xFFFFFFFF  }
0x25: {  	[dreg:$0x0] =	wrdreg $0x60  }
0x26: {  	[dreg:$0x2] =	wrdreg s25  }
0x27: {  	[dreg:$0x3] =	wrdreg s2  }
0x28: {  	[dreg:$0x4] =	wrdreg $0x9  }
0x29: {  	_ =	task.clear_ibuf [dreg:s7], $0x5FFFF;
	_ =	strace $0x90000049  }
0x2a: {  	s29 =	simm.s32 $0x9;
	_ =	strace $0x8000004B  }
0x2b: {  	_ =	swait.ge [sflag:s29], $0x1  }
0x2c: {  	[sflag:s29] =	ssyncadd.s32 $0xFFFFFFFF  }
0x2d: {  	_ =	strace $0x9000004B  }
0x2e: {  	_ =	sfence  }
0x2f: {  	s30 =	sld [smem:$0x0];
	_ =	sdelay $0x2  }
0x30: {  	s31 =	sshll.u32 s1, $0xD;
	s1 =	sshrl.u32 s1, $0x2  }
0x31: {  	s3 =	sand.u32 $0x4000, s31;
	s1 =	sadd.s32 s1, s30  }
0x32: {  	s0 =	sor.u32 s3, s0;
	s1 =	sshll.u32 s1, $0x11  }
0x33: {  	s0 =	sor.u32 s1, s0  }
0x34: {  	s0 =	sadd.s32 $0x8F2B, s0  }
0x35: {  	[sflag:s0] =	ssyncadd.remote.s32 $0x1  }
0x36: {  	_ =	sfence.sel $0xFFFF  }
0x37: {  	[dreg:$0x0] =	wrdreg $0xFFFFFFFF;
	(pc) =	sbr.abs _section_cstart, $3  }
0x38: {  	[dreg:$0x1] =	wrdreg $0xFFFFFFFF  }
0x39: {  	_ =	task.clear_ibuf [dreg:s7], $0x2FFFF;
	_ =	strace $0x9FFFFFFF  }
0x3a: {  	(tm) =	ssettm $0x7FFFFFFF  }
0x3b: {  	_ =	shalt  }
tec
execute0_lowered:
.L_overlay_start_1:
0x0: {  	(tag) =	ssettag $0x1  }
0x1: {  	s0 =	srdreg.scid  }
0x2: {  	s1 =	sshll.u32 s0, $0x4  }
0x3: {  	s0 =	stileid.u32;
	s1 =	sand.u32 $0x10, s1  }
0x4: {  	s1 =	sor.u32 s0, s1  }
0x5: {  	s6 =	rddreg [dreg:$0x0];
	s4 =	simm.s32 $0x1;
	s2 =	sshll.u32 s1, $0x7  }
0x6: {  	s7 =	simm.s32 $0x2;
	s12 =	simm.s32 $0x0;
	s1 =	ssub.s32 $0x4000, s2  }
0x7: {  	s8 =	simm.s32 $0x20000;
	s13 =	simm.s32 $0x0;
	s3 =	sand.u32 $0xF80, s1  }
0x8: {  	s9 =	simm.s32 $0x0;
	s5 =	sshrl.u32 s1, $0xC;
	p0 =	sne.s32 s3, $0x0  }
.Ltmp0:
0x9: {  	s1 =	rddreg [dreg:$0x2];
	s4 =	simm.s32 @!p0 $0x0;
	(pc) =	sbr.rel .LBB1_1-.Ltmp0, $4  }
0xa: {  	s11 =	simm.s32 $0x0;
	s3 =	rddreg [dreg:$0x1];
	s5 =	sadd.s32 s4, s5  }
0xb: {  	_ =	strace $0x8000004A;
	s4 =	simm.s32 $0x1;
	s5 =	smul.u32 $0x1A, s5  }
0xc: {  	s6 =	sadd.s32 $0xA00, s6;
	s10 =	smov.u32 s2;
	[sflag:s4] =	ssyncpa.u1 $0x0  }
0xd: {  	p0 =	por $0x0, $0x0;
	[sflag:s7] =	ssyncpa.u1 $0x0;
	s7 =	sor.u32 $0x1, s5  }
.LBB1_4:
0xe: {  	s16 =	sshll.u32 s13, $0x3;
	s17 =	sand.u32 $0x78, s13  }
0xf: {  	s30 =	sand.u32 $0xF800, s13;
	s12 =	sshll.u32 s12, $0x10;
	s16 =	sand.u32 $0x3C00, s16  }
0x10: {  	s31 =	sand.u32 $0x7, s13;
	s16 =	sor.u32 s17, s16;
	s17 =	sadd.s32 s3, s30  }
0x11: {  	s13 =	sshll.u32 s31, $0x12;
	s16 =	sshrl.u32 s16, $0x3;
	s12 =	sadd.s32 s12, s17  }
0x12: {  	[tilespmem:s15+$0x0 ss:$0x81] =	vst.msk $0xffff, v0;
	s13 =	sor.u32 $0x400, s13;
	s12 =	sadd.s32 s16, s12  }
0x13: {  	[hbm4b:s12+s13] =	stream.strided.scatter [tilespmem:s14], [sflag:$0x2], $0x1000, s8, s13, $0x20;
	[tilespmem:$0x4040] =	vst v63  }
.LBB1_5:
0x14: {  	s14 =	sadd.s32 $0x1, s9  }
0x15: {  	s12 =	sadd.s32 $0x1000, s10;
	s16 =	smov.u32 s10;
	p2 =	sgt.s32 s14, $0x19  }
0x16: {  	s16 =	smov.u32 @p2 s12  }
0x17: {  	s14 =	simm.s32 @p2 $0x0;
	p2 =	sgt.s32 s16, $0x3FFF  }
0x18: {  	s16 =	smov.u32 @p2 s2;
	p2 =	sne.s32 s11, s7  }
.Ltmp1:
0x19: {  	p1 =	slt.u32 s11, $0x2;
	(pc) =	sbr.rel @!p2 .LBB1_6-.Ltmp1, $4  }
0x1a: {  	s15 =	simm.s32 @!p1 $0x2  }
0x1b: {  	s13 =	smov.u32 s10;
	p0 =	por !p0, !p0;
	_ =	swait.ge @!p1 [sflag:s15], $0x1000  }
0x1c: {  	s12 =	smov.u32 s9;
	[sflag:s15] =	ssyncset.done @!p1 $0x0;
	s9 =	smov.u32 s14  }
0x1d: {  	s11 =	sadd.s32 $0x1, s11;
	[sflag:s15] =	ssyncadd.s32 @!p1 $0xFFFFF000;
	s10 =	smov.u32 s16  }
.LBB1_1:
0x1e: {  	p1 =	sge.u32 s11, s5  }
0x1f: {  	s31 =	sadd.s32 $0xFFFFFFFF, s11;
	s14 =	sxor.u32 @!p1 $0xFFFFFFFF, s11  }
0x20: {  	s15 =	sshll.u32 @!p1 s10, $0x9;
	s16 =	sshll.u32 @!p1 s9, $0x4;
	s17 =	simm.s32 @!p1 $0x1000  }
0x21: {  	s14 =	sshll.u32 @!p1 s14, $0xC;
	s16 =	sand.u32 @!p1 $0x1F0, s16;
	s15 =	sadd.s32 @!p1 s6, s15  }
0x22: {  	s14 =	sand.u32 @!p1 $0x1000, s14;
	s15 =	sadd.s32 @!p1 s16, s15;
	s16 =	simm.s32 @!p1 $0x20  }
0x23: {  	[tilespmem:s14], [sflag:$0x1] =	stream.strided.gather @!p1 [hbm4b:s15+s16], $0x1000, s17, s16, $0x38;
	[tilespmem:$0x4040] =	vst v63  }
0x24: {  	p1 =	sge.u32 s31, s5  }
.Ltmp2:
0x25: {  	_ = 	snop;
	(pc) =	sbr.rel @p1 .LBB1_5-.Ltmp2, $1  }
0x26: {  	_ =	sdelay $0x3  }
0x27: {  	s14 =	simm.s32 $0x1  }
0x28: {  	_ =	swait.ge [sflag:s4], $0x1000;
	s14 =	simm.s32 @!p0 $0x0  }
0x29: {  	[sflag:s4] =	ssyncset.done $0x0;
	s15 =	sshll.u32 s14, $0xC  }
0x2a: {  	[sflag:s4] =	ssyncadd.s32 $0xFFFFF000;
	s18 =	sor.u32 $0x10, s15  }
0x2b: {  	s14 =	smul.u32 $0x4080, s14;
	v1 =	vld [tilespmem:s18+$0x0]  }
0x2c: {  	s30 =	sand.u32 $0x1, s11;
	v0 =	vld [tilespmem:s18+$0xFFFFFFF0]  }
0x2d: {  	s15 =	smul.u32 $0x4080, s30;
	s14 =	sshrl.u32 s14, $0x2  }
0x2e: {  	s16 =	sor.u32 $0x2000, s14  }
0x2f: {  	s31 =	sshrl.u32 s15, $0x2;
	s15 =	sadd.s32 $0x0, s16  }
0x30: {  	s17 =	simm.s32 $0x4;
	s18 =	sadd.s32 $0x20, s18;
	s14 =	sor.u32 $0x2000, s31;
	[tilespmem:s15+$0x810 ss:$0x81] =	vst.msk $0xffff, v1  }
.LBB1_3:
0x31: {  	v1 =	vld [tilespmem:s18+$0x0];
	p1 =	sne.s32 s17, $0x1FC;
	[tilespmem:s15+$0x0 ss:$0x81] =	vst.msk $0xffff, v0;
	s15 =	smov.u32 s17;
	s17 =	sadd.s32 $0x4, s17  }
.Ltmp3:
0x32: {  	v0 =	vld [tilespmem:s18+$0xFFFFFFF0];
	(pc) =	sbr.rel @p1 .LBB1_3-.Ltmp3, $4  }
0x33: {  	_ = 	snop  }
0x34: {  	s15 =	sshra.s32 s15, $0x2  }
0x35: {  	s15 =	sadd.s32 s15, s16  }
0x36: {  	s18 =	sadd.s32 $0x20, s18;
	[tilespmem:s15+$0x810 ss:$0x81] =	vst.msk $0xffff, v1  }
.Ltmp4:
0x37: {  	_ = 	snop;
	(pc) =	sbr.rel .LBB1_4-.Ltmp4, $1  }
0x38: {  	_ =	sdelay $0x3  }
.LBB1_6:
0x39: {  	_ =	sfence.sel $0x180000  }
0x3a: {  	s2 =	simm.s32 $0x1;
	[bflag:$0x0] =	sbarrier.arrive $0xFFFF  }
0x3b: {  	s31 =	simm.s32 $0x2;
	[sflag:s2] =	ssyncpa.u1 $0x1  }
0x3c: {  	[sflag:s31] =	ssyncpa.u1 $0x1  }
0x3d: {  	p0 =	sne.s32 s0, $0x0;
	_ =	strace $0x9000004A  }
0x3e: {  	s0 =	sadd.s32 @!p0 $0x100000, s1;
	[bflag:$0x2] =	sbarrier.arrive $0xFFFF  }
0x3f: {  	[sflag:s0] =	ssyncadd.tile.s32 @!p0 $0x1;
	_ =	shalt  }
.Lfunc_end1:
_tile_overlayer_lowered:
.L_overlay_start_2:
0x40: {  	(tag) =	ssettag $0x2  }
0x41: {  	s0 =	rddreg [dreg:$0x0];
	s2 =	stileid.u32  }
0x42: {  	s1 =	rddreg [dreg:$0x1];
	p0 =	sne.s32 s2, $0x0  }
0x43: {  	s3 =	rddreg [dreg:$0x2];
	[bflag:$0x3] =	sbarrier.arrive $0xFFFF;
	s2 =	simm.s32 @!p0 $0x1C01  }
0x44: {  	[timem:s3], [sflag:s2] =	dma.local @!p0 [hbm:s0], s1  }
0x45: {  	s0 =	simm.s32 @!p0 $0x1  }
0x46: {  	_ =	swait.ge @!p0 [sflag:s0], s1  }
0x47: {  	s1 =	ssub.s32 @!p0 $0x0, s1;
	[sflag:s0] =	ssyncset.done @!p0 $0x0  }
0x48: {  	[sflag:s0] =	ssyncadd.s32 @!p0 s1  }
0x49: {  	[bflag:$0x3] =	sbarrier.arrive $0xFFFF  }
0x4a: {  	_ =	shalt  }

</sc_bundles>
